<compile_context>
chip_gen: v7x
topology: tpu7x:2x2x1
jax: 0.10.2.dev20260603
libtpu: 0.0.44.dev20260713+nightly
codegen_flags: <defaults>
</compile_context>

<pallas_src>
import functools

import jax
import jax.numpy as jnp
from jax import lax
from jax.experimental import pallas as pl
from jax.experimental.pallas import tpu as pltpu
from jax.experimental.pallas import tpu_sc as plsc

F32 = jnp.float32
DN_NT = (((1,), (1,)), ((), ()))


def _amax_body(t_ref, am_ref):
    t = t_ref[...]
    B, L = t.shape
    mx = jnp.max(t, axis=1, keepdims=True)
    col = lax.broadcasted_iota(jnp.int32, (B, L), 1)
    cand = jnp.where(t == mx, col, L)
    am = jnp.min(cand, axis=1, keepdims=True)
    am_ref[...] = jnp.broadcast_to(am, (B, 8))


def _select_body(am_ref, t_ref, a_ref, gid_ref, rows_ref, gid_scr, sem,
                 *, B, L, KP):
    def issue(i, c):
        amb = am_ref[i, 0]
        pltpu.make_async_copy(a_ref.at[i, amb], rows_ref.at[i], sem).start()
        return c

    lax.fori_loop(0, B, issue, 0)

    def drain(i, c):
        pltpu.make_async_copy(a_ref.at[0, 0], rows_ref.at[0], sem).wait()
        return c

    lax.fori_loop(0, B, drain, 0)

    J = lax.broadcasted_iota(jnp.int32, (L, L), 1)
    I = lax.broadcasted_iota(jnp.int32, (L, L), 0)
    R = lax.broadcasted_iota(jnp.int32, (L, KP), 1)
    Irow = lax.broadcasted_iota(jnp.int32, (L, KP), 0).astype(F32)

    def body(b, c):
        amb = am_ref[b, 0]
        t = t_ref[pl.ds(b, 1), :]
        a = rows_ref[pl.ds(b, 1), :]
        col1 = lax.broadcasted_iota(jnp.int32, (1, L), 1)
        a = jnp.where(col1 == amb, jnp.float32(-1.0), a)
        a = jnp.where(t != 0, a, jnp.float32(0.0))

        A = jnp.broadcast_to(a, (L, L))
        AT = lax.transpose(A, (1, 0))
        beat = (A > AT) | ((A == AT) & (J < I))
        rank = jnp.sum(beat.astype(F32), axis=1, keepdims=True)

        ranki = rank.astype(jnp.int32)
        O = (ranki == R).astype(F32)
        idxf = jnp.sum(O * Irow, axis=0, keepdims=True)
        gid_scr[pl.ds(b, 1), :] = idxf.astype(jnp.int32) + b * L
        return c

    lax.fori_loop(0, B, body, 0)
    gid_ref[...] = lax.transpose(gid_scr[...], (1, 0))


def _sc_gather_body(tab_ref, idx_ref, out_ref, idx_v, rows_v, sem,
                    *, per_w, ch):
    wid = lax.axis_index("s") * 2 + lax.axis_index("c")
    for c in range(per_w // ch):
        base = wid * per_w + c * ch
        pltpu.sync_copy(idx_ref.at[pl.ds(base, ch)], idx_v)
        pltpu.async_copy(tab_ref.at[idx_v], rows_v, sem).wait()
        pltpu.sync_copy(rows_v, out_ref.at[pl.ds(base, ch)])


def _stats_body(x_ref, w1_ref, b1_ref, st_ref):
    i = pl.program_id(0)

    @pl.when(i == 0)
    def _():
        st_ref[...] = jnp.zeros_like(st_ref)

    x = x_ref[...]
    nrm = jnp.sqrt(jnp.sum(x * x, axis=1, keepdims=True)) + 1e-8
    xn = x / nrm
    h = lax.dot_general(xn, w1_ref[...], DN_NT, preferred_element_type=F32)
    h = h + b1_ref[...]
    st_ref[0:1, :] += jnp.sum(h, axis=0, keepdims=True)
    st_ref[1:2, :] += jnp.sum(h * h, axis=0, keepdims=True)


def _final_body(x_ref, w1_ref, b1_ref, st_ref, g_ref, bb_ref, w2_ref,
                b2_ref, lw_ref, lb_ref, out_ref, *, n_rows):
    x = x_ref[...]
    nrm = jnp.sqrt(jnp.sum(x * x, axis=1, keepdims=True)) + 1e-8
    xn = x / nrm
    h = lax.dot_general(xn, w1_ref[...], DN_NT, preferred_element_type=F32)
    h = h + b1_ref[...]
    inv_n = jnp.float32(1.0 / n_rows)
    mean = st_ref[0:1, :] * inv_n
    var = st_ref[1:2, :] * inv_n - mean * mean
    hn = (h - mean) / jnp.sqrt(var + 1e-5) * g_ref[...] + bb_ref[...]
    hr = jnp.maximum(hn, 0.0)
    out = lax.dot_general(hr, w2_ref[...], DN_NT, preferred_element_type=F32)
    out = out + b2_ref[...]
    c = xn * jnp.float32(8193.0)
    hi = c - (c - xn)
    mg = jnp.float32(0.75)
    sub = (xn + mg) - mg
    x16 = jnp.where(jnp.abs(xn) < jnp.float32(6.103515625e-05), sub, hi)
    cap = lax.dot_general(x16, lw_ref[...], DN_NT, preferred_element_type=F32)
    out_ref[...] = out + cap + lb_ref[...]


def kernel(features, text, atten, linear_W, linear_b, mlp_W1, mlp_b1,
           bn_gamma, bn_beta, mlp_W2, mlp_b2):
    B, L, D = features.shape
    DE = linear_W.shape[0]
    H = mlp_W1.shape[0]
    K = (atten.shape[1] - 2) * 3 // 10
    KP = 160
    N = B * K
    TOT = B * KP

    am8 = pl.pallas_call(
        _amax_body,
        out_shape=jax.ShapeDtypeStruct((B, 8), jnp.int32),
        in_specs=[pl.BlockSpec((B, L), lambda: (0, 0))],
        out_specs=pl.BlockSpec((B, 8), lambda: (0, 0)),
    )(text)

    gid = pl.pallas_call(
        functools.partial(_select_body, B=B, L=L, KP=KP),
        in_specs=[
            pl.BlockSpec(memory_space=pltpu.MemorySpace.SMEM),
            pl.BlockSpec((B, L), lambda: (0, 0)),
            pl.BlockSpec(memory_space=pltpu.MemorySpace.HBM),
        ],
        out_specs=pl.BlockSpec((KP, B), lambda: (0, 0)),
        out_shape=jax.ShapeDtypeStruct((KP, B), jnp.int32),
        scratch_shapes=[
            pltpu.VMEM((B, L), F32),
            pltpu.VMEM((B, KP), jnp.int32),
            pltpu.SemaphoreType.DMA,
        ],
    )(am8, text, atten)

    NW = 32
    per_w = TOT // NW
    CH = 128
    mesh = plsc.VectorSubcoreMesh(core_axis_name="c", subcore_axis_name="s")
    xg = pl.kernel(
        functools.partial(_sc_gather_body, per_w=per_w, ch=CH),
        mesh=mesh,
        out_type=jax.ShapeDtypeStruct((TOT, D), F32),
        scratch_types=[
            pltpu.VMEM((CH,), jnp.int32),
            pltpu.VMEM((CH, D), F32),
            pltpu.SemaphoreType.DMA,
        ],
        compiler_params=pltpu.CompilerParams(use_tc_tiling_on_sc=True),
    )(features.reshape(B * L, D), gid.reshape(TOT))

    RB = 8 * K
    n_steps = N // RB
    stats = pl.pallas_call(
        _stats_body,
        grid=(n_steps,),
        in_specs=[
            pl.BlockSpec((RB, D), lambda i: (i, 0)),
            pl.BlockSpec((H, D), lambda i: (0, 0)),
            pl.BlockSpec((1, H), lambda i: (0, 0)),
        ],
        out_specs=pl.BlockSpec((8, H), lambda i: (0, 0)),
        out_shape=jax.ShapeDtypeStruct((8, H), F32),
    )(xg, mlp_W1, mlp_b1.reshape(1, H))

    res = pl.pallas_call(
        functools.partial(_final_body, n_rows=N),
        grid=(n_steps,),
        in_specs=[
            pl.BlockSpec((RB, D), lambda i: (i, 0)),
            pl.BlockSpec((H, D), lambda i: (0, 0)),
            pl.BlockSpec((1, H), lambda i: (0, 0)),
            pl.BlockSpec((8, H), lambda i: (0, 0)),
            pl.BlockSpec((1, H), lambda i: (0, 0)),
            pl.BlockSpec((1, H), lambda i: (0, 0)),
            pl.BlockSpec((DE, H), lambda i: (0, 0)),
            pl.BlockSpec((1, DE), lambda i: (0, 0)),
            pl.BlockSpec((DE, D), lambda i: (0, 0)),
            pl.BlockSpec((1, DE), lambda i: (0, 0)),
        ],
        out_specs=pl.BlockSpec((RB, DE), lambda i: (i, 0)),
        out_shape=jax.ShapeDtypeStruct((N, DE), F32),
    )(xg, mlp_W1, mlp_b1.reshape(1, H), stats, bn_gamma.reshape(1, H),
      bn_beta.reshape(1, H), mlp_W2, mlp_b2.reshape(1, DE), linear_W,
      linear_b.reshape(1, DE))

    return res.reshape(K, B, DE).swapaxes(0, 1)

# --- scband reference (transcript-rebuilt; emitter-appended) ---
"""Pipeline reference for scband-texual-embedding-layer-18399639896074 (READ-ONLY COPY).

The authoritative reference and input builder live on the scoring server;
editing this copy changes nothing except your own understanding.
"""

import jax, jax.numpy as jnp
import numpy as np

B, L, D_IN, D_EMB = 128, 512, 512, 1024
H = D_EMB // 2
RATIO = 0.3


def setup_inputs(seed: int = 0) -> dict:
    key = jax.random.key(seed)
    ks = jax.random.split(key, 8)
    features = jax.random.normal(ks[0], (B, L, D_IN), dtype=jnp.float32)
    # note: spec dtype is int64; use int32 in jax (x64 disabled by default), values identical in range
    text = jax.random.randint(ks[1], (B, L), 0, 49408, dtype=jnp.int32)
    atten = jax.random.uniform(ks[2], (B, L, L), dtype=jnp.float32)
    linear_W = jax.random.normal(ks[3], (D_EMB, D_IN), dtype=jnp.float32) * 0.02
    linear_b = jnp.zeros((D_EMB,), dtype=jnp.float32)
    mlp_W1 = jax.random.normal(ks[4], (H, D_IN), dtype=jnp.float32) * 0.02
    mlp_b1 = jnp.zeros((H,), dtype=jnp.float32)
    bn_gamma = jnp.ones((H,), dtype=jnp.float32)
    bn_beta = jnp.zeros((H,), dtype=jnp.float32)
    mlp_W2 = jax.random.normal(ks[5], (D_EMB, H), dtype=jnp.float32) * 0.02
    mlp_b2 = jnp.zeros((D_EMB,), dtype=jnp.float32)
    return {"features": features, "text": text, "atten": atten,
            "linear_W": linear_W, "linear_b": linear_b,
            "mlp_W1": mlp_W1, "mlp_b1": mlp_b1,
            "bn_gamma": bn_gamma, "bn_beta": bn_beta,
            "mlp_W2": mlp_W2, "mlp_b2": mlp_b2}


def reference(features, text, atten, linear_W, linear_b, mlp_W1, mlp_b1, bn_gamma, bn_beta, mlp_W2, mlp_b2):
    bs, Lq, D = features.shape
    k = int((atten.shape[1] - 2) * RATIO)  # static
    mask = (text != 0).astype(atten.dtype)
    am = jnp.argmax(text, axis=-1)  # [B]
    bidx = jnp.arange(bs)
    # atten[arange(bs), :, text.argmax(-1)] = -1
    atten = atten.at[bidx, :, am].set(-1.0)
    # atten = atten[arange(bs), text.argmax(-1), :]
    atten = atten[bidx, am, :]  # [B, L]
    atten = atten * mask
    _, topk_idx = jax.lax.top_k(atten, k)  # [B, k]
    feats = jnp.take_along_axis(features, topk_idx[:, :, None], axis=1)  # [B, k, D]
    # l2norm over last dim
    norm = jnp.sqrt(jnp.sum(feats ** 2, axis=-1, keepdims=True)) + 1e-8
    feats = feats / norm
    # cap_emb = linear(features.half())
    cap_emb = feats.astype(jnp.float16) @ linear_W.T + linear_b  # promotes to fp32
    # MLP: Linear -> BN (train-mode batch stats) -> ReLU -> Linear
    x = feats.reshape(bs * k, D)
    h = x @ mlp_W1.T + mlp_b1
    mean = jnp.mean(h, axis=0)
    var = jnp.var(h, axis=0)
    h = (h - mean) / jnp.sqrt(var + 1e-5) * bn_gamma + bn_beta
    h = jax.nn.relu(h)
    out = h @ mlp_W2.T + mlp_b2
    out = out.reshape(bs, k, D_EMB)
    res = (out + cap_emb).astype(jnp.float32)
    return res

if __name__ == "__main__":
    import jax
    _d = setup_inputs()
    print(jax.jit(kernel)(*tuple(_d.values())))

</pallas_src>

<mosaic_0001>
#map = affine_map<(d0, d1) -> (0, 0)>
#map1 = affine_map<(d0, d1) -> (0)>
module attributes {stable_mosaic.version = 14 : i64} {
  func.func @_sc_gather_body(%arg0: i32, %arg1: i32, %arg2: memref<65536x512xf32, #tpu.memory_space<hbm>>, %arg3: memref<20480xi32, #tpu.memory_space<hbm>>, %arg4: memref<20480x512xf32, #tpu.memory_space<hbm>>, %arg5: memref<128xi32, #tpu.memory_space<vmem>>, %arg6: memref<128x512xf32, #tpu.memory_space<vmem>>, %arg7: memref<!tpu.dma_semaphore, #tpu.memory_space<semaphore_mem>>) attributes {dimension_semantics = [#tpu.dimension_semantics<core_parallel>, #tpu.dimension_semantics<subcore_parallel>], iteration_bounds = array<i64: 2, 16>, scalar_prefetch = 0 : i64, scratch_operands = 3 : i64, tpu.core_type = #tpu.core_type<sc_vector_subcore>, window_params = [{transform_indices = #map}, {transform_indices = #map1}, {transform_indices = #map}]} {
    %mul3A = arith.constant 2 : i32
    %mul3A_0 = arith.muli %arg1, %mul3A : i32
    %add3A = arith.addi %mul3A_0, %arg0 : i32
    %mul3A_1 = arith.constant 640 : i32
    %mul3A_2 = arith.muli %add3A, %mul3A_1 : i32
    %add3A_3 = arith.constant 0 : i32
    %add3A_4 = arith.addi %mul3A_2, %add3A_3 : i32
    "tpu.region"() ({
      %run_scoped3A = tpu.sem_alloc : memref<!tpu.dma_semaphore, #tpu.memory_space<semaphore_mem>>
      %dma_start3A_49 = tpu.memref_slice %arg3[%add3A_4] : memref<20480xi32, #tpu.memory_space<hbm>> -> memref<128xi32, #tpu.memory_space<hbm>>
      %dma_start3A_50 = tpu.memref_slice %arg3[%add3A_4] : memref<20480xi32, #tpu.memory_space<hbm>> -> memref<128xi32, #tpu.memory_space<hbm>>
      tpu.enqueue_dma source(%dma_start3A_50 : memref<128xi32, #tpu.memory_space<hbm>>) target(%arg5 : memref<128xi32, #tpu.memory_space<vmem>>) target_semaphore(%run_scoped3A : memref<!tpu.dma_semaphore, #tpu.memory_space<semaphore_mem>>)
      %dma_wait3A_51 = tpu.memref_slice %arg3[%add3A_4] : memref<20480xi32, #tpu.memory_space<hbm>> -> memref<128xi32, #tpu.memory_space<hbm>>
      %dma_wait3A_52 = tpu.memref_slice %arg3[%add3A_4] : memref<20480xi32, #tpu.memory_space<hbm>> -> memref<128xi32, #tpu.memory_space<hbm>>
      tpu.wait_dma2 semaphore(%run_scoped3A : memref<!tpu.dma_semaphore, #tpu.memory_space<semaphore_mem>>) src(%dma_wait3A_52 : memref<128xi32, #tpu.memory_space<hbm>>) dst(%arg5 : memref<128xi32, #tpu.memory_space<vmem>>)
      tpu.yield
    }) : () -> ()
    %dma_start3A = arith.constant 0 : i32
    %dma_start3A_5 = arith.constant 0 : i32
    %dma_start3A_6 = tpu.memref_slice %arg2[%dma_start3A, %dma_start3A_5] : memref<65536x512xf32, #tpu.memory_space<hbm>> -> memref<65536x512xf32, #tpu.memory_space<hbm>>
    tpu.enqueue_indirect_dma source(%dma_start3A_6 : memref<65536x512xf32, #tpu.memory_space<hbm>>) target(%arg6 : memref<128x512xf32, #tpu.memory_space<vmem>>) offsets(%arg5 : memref<128xi32, #tpu.memory_space<vmem>>) semaphore(%arg7 : memref<!tpu.dma_semaphore, #tpu.memory_space<semaphore_mem>>)
    %dma_wait3A = arith.constant 0 : i32
    %dma_wait3A_7 = arith.constant 0 : i32
    %dma_wait3A_8 = tpu.memref_slice %arg2[%dma_wait3A, %dma_wait3A_7] : memref<65536x512xf32, #tpu.memory_space<hbm>> -> memref<65536x512xf32, #tpu.memory_space<hbm>>
    tpu.wait_indirect_dma semaphore(%arg7 : memref<!tpu.dma_semaphore, #tpu.memory_space<semaphore_mem>>) src(%dma_wait3A_8 : memref<65536x512xf32, #tpu.memory_space<hbm>>) dst(%arg6 : memref<128x512xf32, #tpu.memory_space<vmem>>)
    "tpu.region"() ({
      %run_scoped3A = tpu.sem_alloc : memref<!tpu.dma_semaphore, #tpu.memory_space<semaphore_mem>>
      %dma_start3A_49 = arith.constant 0 : i32
      %dma_start3A_50 = tpu.memref_slice %arg4[%add3A_4, %dma_start3A_49] : memref<20480x512xf32, #tpu.memory_space<hbm>> -> memref<128x512xf32, #tpu.memory_space<hbm>>
      %dma_start3A_51 = arith.constant 0 : i32
      %dma_start3A_52 = tpu.memref_slice %arg4[%add3A_4, %dma_start3A_51] : memref<20480x512xf32, #tpu.memory_space<hbm>> -> memref<128x512xf32, #tpu.memory_space<hbm>>
      tpu.enqueue_dma source(%arg6 : memref<128x512xf32, #tpu.memory_space<vmem>>) target(%dma_start3A_52 : memref<128x512xf32, #tpu.memory_space<hbm>>) target_semaphore(%run_scoped3A : memref<!tpu.dma_semaphore, #tpu.memory_space<semaphore_mem>>)
      %dma_wait3A_53 = arith.constant 0 : i32
      %dma_wait3A_54 = tpu.memref_slice %arg4[%add3A_4, %dma_wait3A_53] : memref<20480x512xf32, #tpu.memory_space<hbm>> -> memref<128x512xf32, #tpu.memory_space<hbm>>
      %dma_wait3A_55 = arith.constant 0 : i32
      %dma_wait3A_56 = tpu.memref_slice %arg4[%add3A_4, %dma_wait3A_55] : memref<20480x512xf32, #tpu.memory_space<hbm>> -> memref<128x512xf32, #tpu.memory_space<hbm>>
      tpu.wait_dma2 semaphore(%run_scoped3A : memref<!tpu.dma_semaphore, #tpu.memory_space<semaphore_mem>>) src(%arg6 : memref<128x512xf32, #tpu.memory_space<vmem>>) dst(%dma_wait3A_56 : memref<128x512xf32, #tpu.memory_space<hbm>>)
      tpu.yield
    }) : () -> ()
    %mul3A_9 = arith.constant 640 : i32
    %mul3A_10 = arith.muli %add3A, %mul3A_9 : i32
    %add3A_11 = arith.constant 128 : i32
    %add3A_12 = arith.addi %mul3A_10, %add3A_11 : i32
    "tpu.region"() ({
      %run_scoped3A = tpu.sem_alloc : memref<!tpu.dma_semaphore, #tpu.memory_space<semaphore_mem>>
      %dma_start3A_49 = tpu.memref_slice %arg3[%add3A_12] : memref<20480xi32, #tpu.memory_space<hbm>> -> memref<128xi32, #tpu.memory_space<hbm>>
      %dma_start3A_50 = tpu.memref_slice %arg3[%add3A_12] : memref<20480xi32, #tpu.memory_space<hbm>> -> memref<128xi32, #tpu.memory_space<hbm>>
      tpu.enqueue_dma source(%dma_start3A_50 : memref<128xi32, #tpu.memory_space<hbm>>) target(%arg5 : memref<128xi32, #tpu.memory_space<vmem>>) target_semaphore(%run_scoped3A : memref<!tpu.dma_semaphore, #tpu.memory_space<semaphore_mem>>)
      %dma_wait3A_51 = tpu.memref_slice %arg3[%add3A_12] : memref<20480xi32, #tpu.memory_space<hbm>> -> memref<128xi32, #tpu.memory_space<hbm>>
      %dma_wait3A_52 = tpu.memref_slice %arg3[%add3A_12] : memref<20480xi32, #tpu.memory_space<hbm>> -> memref<128xi32, #tpu.memory_space<hbm>>
      tpu.wait_dma2 semaphore(%run_scoped3A : memref<!tpu.dma_semaphore, #tpu.memory_space<semaphore_mem>>) src(%dma_wait3A_52 : memref<128xi32, #tpu.memory_space<hbm>>) dst(%arg5 : memref<128xi32, #tpu.memory_space<vmem>>)
      tpu.yield
    }) : () -> ()
    %dma_start3A_13 = arith.constant 0 : i32
    %dma_start3A_14 = arith.constant 0 : i32
    %dma_start3A_15 = tpu.memref_slice %arg2[%dma_start3A_13, %dma_start3A_14] : memref<65536x512xf32, #tpu.memory_space<hbm>> -> memref<65536x512xf32, #tpu.memory_space<hbm>>
    tpu.enqueue_indirect_dma source(%dma_start3A_15 : memref<65536x512xf32, #tpu.memory_space<hbm>>) target(%arg6 : memref<128x512xf32, #tpu.memory_space<vmem>>) offsets(%arg5 : memref<128xi32, #tpu.memory_space<vmem>>) semaphore(%arg7 : memref<!tpu.dma_semaphore, #tpu.memory_space<semaphore_mem>>)
    %dma_wait3A_16 = arith.constant 0 : i32
    %dma_wait3A_17 = arith.constant 0 : i32
    %dma_wait3A_18 = tpu.memref_slice %arg2[%dma_wait3A_16, %dma_wait3A_17] : memref<65536x512xf32, #tpu.memory_space<hbm>> -> memref<65536x512xf32, #tpu.memory_space<hbm>>
    tpu.wait_indirect_dma semaphore(%arg7 : memref<!tpu.dma_semaphore, #tpu.memory_space<semaphore_mem>>) src(%dma_wait3A_18 : memref<65536x512xf32, #tpu.memory_space<hbm>>) dst(%arg6 : memref<128x512xf32, #tpu.memory_space<vmem>>)
    "tpu.region"() ({
      %run_scoped3A = tpu.sem_alloc : memref<!tpu.dma_semaphore, #tpu.memory_space<semaphore_mem>>
      %dma_start3A_49 = arith.constant 0 : i32
      %dma_start3A_50 = tpu.memref_slice %arg4[%add3A_12, %dma_start3A_49] : memref<20480x512xf32, #tpu.memory_space<hbm>> -> memref<128x512xf32, #tpu.memory_space<hbm>>
      %dma_start3A_51 = arith.constant 0 : i32
      %dma_start3A_52 = tpu.memref_slice %arg4[%add3A_12, %dma_start3A_51] : memref<20480x512xf32, #tpu.memory_space<hbm>> -> memref<128x512xf32, #tpu.memory_space<hbm>>
      tpu.enqueue_dma source(%arg6 : memref<128x512xf32, #tpu.memory_space<vmem>>) target(%dma_start3A_52 : memref<128x512xf32, #tpu.memory_space<hbm>>) target_semaphore(%run_scoped3A : memref<!tpu.dma_semaphore, #tpu.memory_space<semaphore_mem>>)
      %dma_wait3A_53 = arith.constant 0 : i32
      %dma_wait3A_54 = tpu.memref_slice %arg4[%add3A_12, %dma_wait3A_53] : memref<20480x512xf32, #tpu.memory_space<hbm>> -> memref<128x512xf32, #tpu.memory_space<hbm>>
      %dma_wait3A_55 = arith.constant 0 : i32
      %dma_wait3A_56 = tpu.memref_slice %arg4[%add3A_12, %dma_wait3A_55] : memref<20480x512xf32, #tpu.memory_space<hbm>> -> memref<128x512xf32, #tpu.memory_space<hbm>>
      tpu.wait_dma2 semaphore(%run_scoped3A : memref<!tpu.dma_semaphore, #tpu.memory_space<semaphore_mem>>) src(%arg6 : memref<128x512xf32, #tpu.memory_space<vmem>>) dst(%dma_wait3A_56 : memref<128x512xf32, #tpu.memory_space<hbm>>)
      tpu.yield
    }) : () -> ()
    %mul3A_19 = arith.constant 640 : i32
    %mul3A_20 = arith.muli %add3A, %mul3A_19 : i32
    %add3A_21 = arith.constant 256 : i32
    %add3A_22 = arith.addi %mul3A_20, %add3A_21 : i32
    "tpu.region"() ({
      %run_scoped3A = tpu.sem_alloc : memref<!tpu.dma_semaphore, #tpu.memory_space<semaphore_mem>>
      %dma_start3A_49 = tpu.memref_slice %arg3[%add3A_22] : memref<20480xi32, #tpu.memory_space<hbm>> -> memref<128xi32, #tpu.memory_space<hbm>>
      %dma_start3A_50 = tpu.memref_slice %arg3[%add3A_22] : memref<20480xi32, #tpu.memory_space<hbm>> -> memref<128xi32, #tpu.memory_space<hbm>>
      tpu.enqueue_dma source(%dma_start3A_50 : memref<128xi32, #tpu.memory_space<hbm>>) target(%arg5 : memref<128xi32, #tpu.memory_space<vmem>>) target_semaphore(%run_scoped3A : memref<!tpu.dma_semaphore, #tpu.memory_space<semaphore_mem>>)
      %dma_wait3A_51 = tpu.memref_slice %arg3[%add3A_22] : memref<20480xi32, #tpu.memory_space<hbm>> -> memref<128xi32, #tpu.memory_space<hbm>>
      %dma_wait3A_52 = tpu.memref_slice %arg3[%add3A_22] : memref<20480xi32, #tpu.memory_space<hbm>> -> memref<128xi32, #tpu.memory_space<hbm>>
      tpu.wait_dma2 semaphore(%run_scoped3A : memref<!tpu.dma_semaphore, #tpu.memory_space<semaphore_mem>>) src(%dma_wait3A_52 : memref<128xi32, #tpu.memory_space<hbm>>) dst(%arg5 : memref<128xi32, #tpu.memory_space<vmem>>)
      tpu.yield
    }) : () -> ()
    %dma_start3A_23 = arith.constant 0 : i32
    %dma_start3A_24 = arith.constant 0 : i32
    %dma_start3A_25 = tpu.memref_slice %arg2[%dma_start3A_23, %dma_start3A_24] : memref<65536x512xf32, #tpu.memory_space<hbm>> -> memref<65536x512xf32, #tpu.memory_space<hbm>>
    tpu.enqueue_indirect_dma source(%dma_start3A_25 : memref<65536x512xf32, #tpu.memory_space<hbm>>) target(%arg6 : memref<128x512xf32, #tpu.memory_space<vmem>>) offsets(%arg5 : memref<128xi32, #tpu.memory_space<vmem>>) semaphore(%arg7 : memref<!tpu.dma_semaphore, #tpu.memory_space<semaphore_mem>>)
    %dma_wait3A_26 = arith.constant 0 : i32
    %dma_wait3A_27 = arith.constant 0 : i32
    %dma_wait3A_28 = tpu.memref_slice %arg2[%dma_wait3A_26, %dma_wait3A_27] : memref<65536x512xf32, #tpu.memory_space<hbm>> -> memref<65536x512xf32, #tpu.memory_space<hbm>>
    tpu.wait_indirect_dma semaphore(%arg7 : memref<!tpu.dma_semaphore, #tpu.memory_space<semaphore_mem>>) src(%dma_wait3A_28 : memref<65536x512xf32, #tpu.memory_space<hbm>>) dst(%arg6 : memref<128x512xf32, #tpu.memory_space<vmem>>)
    "tpu.region"() ({
      %run_scoped3A = tpu.sem_alloc : memref<!tpu.dma_semaphore, #tpu.memory_space<semaphore_mem>>
      %dma_start3A_49 = arith.constant 0 : i32
      %dma_start3A_50 = tpu.memref_slice %arg4[%add3A_22, %dma_start3A_49] : memref<20480x512xf32, #tpu.memory_space<hbm>> -> memref<128x512xf32, #tpu.memory_space<hbm>>
      %dma_start3A_51 = arith.constant 0 : i32
      %dma_start3A_52 = tpu.memref_slice %arg4[%add3A_22, %dma_start3A_51] : memref<20480x512xf32, #tpu.memory_space<hbm>> -> memref<128x512xf32, #tpu.memory_space<hbm>>
      tpu.enqueue_dma source(%arg6 : memref<128x512xf32, #tpu.memory_space<vmem>>) target(%dma_start3A_52 : memref<128x512xf32, #tpu.memory_space<hbm>>) target_semaphore(%run_scoped3A : memref<!tpu.dma_semaphore, #tpu.memory_space<semaphore_mem>>)
      %dma_wait3A_53 = arith.constant 0 : i32
      %dma_wait3A_54 = tpu.memref_slice %arg4[%add3A_22, %dma_wait3A_53] : memref<20480x512xf32, #tpu.memory_space<hbm>> -> memref<128x512xf32, #tpu.memory_space<hbm>>
      %dma_wait3A_55 = arith.constant 0 : i32
      %dma_wait3A_56 = tpu.memref_slice %arg4[%add3A_22, %dma_wait3A_55] : memref<20480x512xf32, #tpu.memory_space<hbm>> -> memref<128x512xf32, #tpu.memory_space<hbm>>
      tpu.wait_dma2 semaphore(%run_scoped3A : memref<!tpu.dma_semaphore, #tpu.memory_space<semaphore_mem>>) src(%arg6 : memref<128x512xf32, #tpu.memory_space<vmem>>) dst(%dma_wait3A_56 : memref<128x512xf32, #tpu.memory_space<hbm>>)
      tpu.yield
    }) : () -> ()
    %mul3A_29 = arith.constant 640 : i32
    %mul3A_30 = arith.muli %add3A, %mul3A_29 : i32
    %add3A_31 = arith.constant 384 : i32
    %add3A_32 = arith.addi %mul3A_30, %add3A_31 : i32
    "tpu.region"() ({
      %run_scoped3A = tpu.sem_alloc : memref<!tpu.dma_semaphore, #tpu.memory_space<semaphore_mem>>
      %dma_start3A_49 = tpu.memref_slice %arg3[%add3A_32] : memref<20480xi32, #tpu.memory_space<hbm>> -> memref<128xi32, #tpu.memory_space<hbm>>
      %dma_start3A_50 = tpu.memref_slice %arg3[%add3A_32] : memref<20480xi32, #tpu.memory_space<hbm>> -> memref<128xi32, #tpu.memory_space<hbm>>
      tpu.enqueue_dma source(%dma_start3A_50 : memref<128xi32, #tpu.memory_space<hbm>>) target(%arg5 : memref<128xi32, #tpu.memory_space<vmem>>) target_semaphore(%run_scoped3A : memref<!tpu.dma_semaphore, #tpu.memory_space<semaphore_mem>>)
      %dma_wait3A_51 = tpu.memref_slice %arg3[%add3A_32] : memref<20480xi32, #tpu.memory_space<hbm>> -> memref<128xi32, #tpu.memory_space<hbm>>
      %dma_wait3A_52 = tpu.memref_slice %arg3[%add3A_32] : memref<20480xi32, #tpu.memory_space<hbm>> -> memref<128xi32, #tpu.memory_space<hbm>>
      tpu.wait_dma2 semaphore(%run_scoped3A : memref<!tpu.dma_semaphore, #tpu.memory_space<semaphore_mem>>) src(%dma_wait3A_52 : memref<128xi32, #tpu.memory_space<hbm>>) dst(%arg5 : memref<128xi32, #tpu.memory_space<vmem>>)
      tpu.yield
    }) : () -> ()
    %dma_start3A_33 = arith.constant 0 : i32
    %dma_start3A_34 = arith.constant 0 : i32
    %dma_start3A_35 = tpu.memref_slice %arg2[%dma_start3A_33, %dma_start3A_34] : memref<65536x512xf32, #tpu.memory_space<hbm>> -> memref<65536x512xf32, #tpu.memory_space<hbm>>
    tpu.enqueue_indirect_dma source(%dma_start3A_35 : memref<65536x512xf32, #tpu.memory_space<hbm>>) target(%arg6 : memref<128x512xf32, #tpu.memory_space<vmem>>) offsets(%arg5 : memref<128xi32, #tpu.memory_space<vmem>>) semaphore(%arg7 : memref<!tpu.dma_semaphore, #tpu.memory_space<semaphore_mem>>)
    %dma_wait3A_36 = arith.constant 0 : i32
    %dma_wait3A_37 = arith.constant 0 : i32
    %dma_wait3A_38 = tpu.memref_slice %arg2[%dma_wait3A_36, %dma_wait3A_37] : memref<65536x512xf32, #tpu.memory_space<hbm>> -> memref<65536x512xf32, #tpu.memory_space<hbm>>
    tpu.wait_indirect_dma semaphore(%arg7 : memref<!tpu.dma_semaphore, #tpu.memory_space<semaphore_mem>>) src(%dma_wait3A_38 : memref<65536x512xf32, #tpu.memory_space<hbm>>) dst(%arg6 : memref<128x512xf32, #tpu.memory_space<vmem>>)
    "tpu.region"() ({
      %run_scoped3A = tpu.sem_alloc : memref<!tpu.dma_semaphore, #tpu.memory_space<semaphore_mem>>
      %dma_start3A_49 = arith.constant 0 : i32
      %dma_start3A_50 = tpu.memref_slice %arg4[%add3A_32, %dma_start3A_49] : memref<20480x512xf32, #tpu.memory_space<hbm>> -> memref<128x512xf32, #tpu.memory_space<hbm>>
      %dma_start3A_51 = arith.constant 0 : i32
      %dma_start3A_52 = tpu.memref_slice %arg4[%add3A_32, %dma_start3A_51] : memref<20480x512xf32, #tpu.memory_space<hbm>> -> memref<128x512xf32, #tpu.memory_space<hbm>>
      tpu.enqueue_dma source(%arg6 : memref<128x512xf32, #tpu.memory_space<vmem>>) target(%dma_start3A_52 : memref<128x512xf32, #tpu.memory_space<hbm>>) target_semaphore(%run_scoped3A : memref<!tpu.dma_semaphore, #tpu.memory_space<semaphore_mem>>)
      %dma_wait3A_53 = arith.constant 0 : i32
      %dma_wait3A_54 = tpu.memref_slice %arg4[%add3A_32, %dma_wait3A_53] : memref<20480x512xf32, #tpu.memory_space<hbm>> -> memref<128x512xf32, #tpu.memory_space<hbm>>
      %dma_wait3A_55 = arith.constant 0 : i32
      %dma_wait3A_56 = tpu.memref_slice %arg4[%add3A_32, %dma_wait3A_55] : memref<20480x512xf32, #tpu.memory_space<hbm>> -> memref<128x512xf32, #tpu.memory_space<hbm>>
      tpu.wait_dma2 semaphore(%run_scoped3A : memref<!tpu.dma_semaphore, #tpu.memory_space<semaphore_mem>>) src(%arg6 : memref<128x512xf32, #tpu.memory_space<vmem>>) dst(%dma_wait3A_56 : memref<128x512xf32, #tpu.memory_space<hbm>>)
      tpu.yield
    }) : () -> ()
    %mul3A_39 = arith.constant 640 : i32
    %mul3A_40 = arith.muli %add3A, %mul3A_39 : i32
    %add3A_41 = arith.constant 512 : i32
    %add3A_42 = arith.addi %mul3A_40, %add3A_41 : i32
    "tpu.region"() ({
      %run_scoped3A = tpu.sem_alloc : memref<!tpu.dma_semaphore, #tpu.memory_space<semaphore_mem>>
      %dma_start3A_49 = tpu.memref_slice %arg3[%add3A_42] : memref<20480xi32, #tpu.memory_space<hbm>> -> memref<128xi32, #tpu.memory_space<hbm>>
      %dma_start3A_50 = tpu.memref_slice %arg3[%add3A_42] : memref<20480xi32, #tpu.memory_space<hbm>> -> memref<128xi32, #tpu.memory_space<hbm>>
      tpu.enqueue_dma source(%dma_start3A_50 : memref<128xi32, #tpu.memory_space<hbm>>) target(%arg5 : memref<128xi32, #tpu.memory_space<vmem>>) target_semaphore(%run_scoped3A : memref<!tpu.dma_semaphore, #tpu.memory_space<semaphore_mem>>)
      %dma_wait3A_51 = tpu.memref_slice %arg3[%add3A_42] : memref<20480xi32, #tpu.memory_space<hbm>> -> memref<128xi32, #tpu.memory_space<hbm>>
      %dma_wait3A_52 = tpu.memref_slice %arg3[%add3A_42] : memref<20480xi32, #tpu.memory_space<hbm>> -> memref<128xi32, #tpu.memory_space<hbm>>
      tpu.wait_dma2 semaphore(%run_scoped3A : memref<!tpu.dma_semaphore, #tpu.memory_space<semaphore_mem>>) src(%dma_wait3A_52 : memref<128xi32, #tpu.memory_space<hbm>>) dst(%arg5 : memref<128xi32, #tpu.memory_space<vmem>>)
      tpu.yield
    }) : () -> ()
    %dma_start3A_43 = arith.constant 0 : i32
    %dma_start3A_44 = arith.constant 0 : i32
    %dma_start3A_45 = tpu.memref_slice %arg2[%dma_start3A_43, %dma_start3A_44] : memref<65536x512xf32, #tpu.memory_space<hbm>> -> memref<65536x512xf32, #tpu.memory_space<hbm>>
    tpu.enqueue_indirect_dma source(%dma_start3A_45 : memref<65536x512xf32, #tpu.memory_space<hbm>>) target(%arg6 : memref<128x512xf32, #tpu.memory_space<vmem>>) offsets(%arg5 : memref<128xi32, #tpu.memory_space<vmem>>) semaphore(%arg7 : memref<!tpu.dma_semaphore, #tpu.memory_space<semaphore_mem>>)
    %dma_wait3A_46 = arith.constant 0 : i32
    %dma_wait3A_47 = arith.constant 0 : i32
    %dma_wait3A_48 = tpu.memref_slice %arg2[%dma_wait3A_46, %dma_wait3A_47] : memref<65536x512xf32, #tpu.memory_space<hbm>> -> memref<65536x512xf32, #tpu.memory_space<hbm>>
    tpu.wait_indirect_dma semaphore(%arg7 : memref<!tpu.dma_semaphore, #tpu.memory_space<semaphore_mem>>) src(%dma_wait3A_48 : memref<65536x512xf32, #tpu.memory_space<hbm>>) dst(%arg6 : memref<128x512xf32, #tpu.memory_space<vmem>>)
    "tpu.region"() ({
      %run_scoped3A = tpu.sem_alloc : memref<!tpu.dma_semaphore, #tpu.memory_space<semaphore_mem>>
      %dma_start3A_49 = arith.constant 0 : i32
      %dma_start3A_50 = tpu.memref_slice %arg4[%add3A_42, %dma_start3A_49] : memref<20480x512xf32, #tpu.memory_space<hbm>> -> memref<128x512xf32, #tpu.memory_space<hbm>>
      %dma_start3A_51 = arith.constant 0 : i32
      %dma_start3A_52 = tpu.memref_slice %arg4[%add3A_42, %dma_start3A_51] : memref<20480x512xf32, #tpu.memory_space<hbm>> -> memref<128x512xf32, #tpu.memory_space<hbm>>
      tpu.enqueue_dma source(%arg6 : memref<128x512xf32, #tpu.memory_space<vmem>>) target(%dma_start3A_52 : memref<128x512xf32, #tpu.memory_space<hbm>>) target_semaphore(%run_scoped3A : memref<!tpu.dma_semaphore, #tpu.memory_space<semaphore_mem>>)
      %dma_wait3A_53 = arith.constant 0 : i32
      %dma_wait3A_54 = tpu.memref_slice %arg4[%add3A_42, %dma_wait3A_53] : memref<20480x512xf32, #tpu.memory_space<hbm>> -> memref<128x512xf32, #tpu.memory_space<hbm>>
      %dma_wait3A_55 = arith.constant 0 : i32
      %dma_wait3A_56 = tpu.memref_slice %arg4[%add3A_42, %dma_wait3A_55] : memref<20480x512xf32, #tpu.memory_space<hbm>> -> memref<128x512xf32, #tpu.memory_space<hbm>>
      tpu.wait_dma2 semaphore(%run_scoped3A : memref<!tpu.dma_semaphore, #tpu.memory_space<semaphore_mem>>) src(%arg6 : memref<128x512xf32, #tpu.memory_space<vmem>>) dst(%dma_wait3A_56 : memref<128x512xf32, #tpu.memory_space<hbm>>)
      tpu.yield
    }) : () -> ()
    return
  }
}

module attributes {stable_mosaic.version = 14 : i64} {
  func.func @_select_body(%arg0: memref<128x8xi32, #tpu.memory_space<smem>>, %arg1: memref<128x512xi32, #tpu.memory_space<vmem>>, %arg2: memref<128x512x512xf32, #tpu.memory_space<hbm>>, %arg3: memref<160x128xi32, #tpu.memory_space<vmem>>, %arg4: memref<128x512xf32, #tpu.memory_space<vmem>>, %arg5: memref<128x160xi32, #tpu.memory_space<vmem>>, %arg6: memref<!tpu.dma_semaphore, #tpu.memory_space<semaphore_mem>>) attributes {dimension_semantics = [], scalar_prefetch = 0 : i64, scratch_operands = 3 : i64, tpu.core_type = #tpu.core_type<tc>} {
    %scan3A = arith.constant 0 : i32
    %scan3A_0 = arith.constant 128 : i32
    %scan3A_1 = arith.addi %scan3A, %scan3A_0 : i32
    %scan3A_2 = arith.constant 1 : i32
    scf.for %scan3A_20 = %scan3A to %scan3A_1 step %scan3A_2  : i32 {
      %get3A_21 = arith.index_cast %scan3A_20 : i32 to index
      %get3A_22 = arith.constant 0 : index
      %get3A_23 = memref.load %arg0[%get3A_21, %get3A_22] : memref<128x8xi32, #tpu.memory_space<smem>>
      %dma_start3A = arith.constant 0 : i32
      %dma_start3A_24 = tpu.memref_slice %arg4[%scan3A_20, %dma_start3A] : memref<128x512xf32, #tpu.memory_space<vmem>> -> memref<1x512xf32, #tpu.memory_space<vmem>>
      %dma_start3A_25 = tpu.memref_squeeze %dma_start3A_24 : memref<1x512xf32, #tpu.memory_space<vmem>> -> memref<512xf32, #tpu.memory_space<vmem>>
      %dma_start3A_26 = arith.constant 0 : i32
      %dma_start3A_27 = tpu.memref_slice %arg2[%scan3A_20, %get3A_23, %dma_start3A_26] : memref<128x512x512xf32, #tpu.memory_space<hbm>> -> memref<1x1x512xf32, #tpu.memory_space<hbm>>
      %dma_start3A_28 = tpu.memref_squeeze %dma_start3A_27 : memref<1x1x512xf32, #tpu.memory_space<hbm>> -> memref<512xf32, #tpu.memory_space<hbm>>
      tpu.enqueue_dma source(%dma_start3A_28 : memref<512xf32, #tpu.memory_space<hbm>>) target(%dma_start3A_25 : memref<512xf32, #tpu.memory_space<vmem>>) target_semaphore(%arg6 : memref<!tpu.dma_semaphore, #tpu.memory_space<semaphore_mem>>)
    }
    %scan3A_3 = arith.constant 128 : i32
    %scan3A_4 = arith.constant 0 : i32
    %scan3A_5 = arith.constant 128 : i32
    %scan3A_6 = arith.addi %scan3A_4, %scan3A_5 : i32
    %scan3A_7 = arith.constant 1 : i32
    scf.for %scan3A_20 = %scan3A_4 to %scan3A_6 step %scan3A_7  : i32 {
      %dma_wait3A = arith.constant 0 : i32
      %dma_wait3A_21 = arith.constant 0 : i32
      %dma_wait3A_22 = arith.constant 0 : i32
      %dma_wait3A_23 = arith.constant 0 : i32
      %dma_wait3A_24 = tpu.memref_slice %arg4[%dma_wait3A_22, %dma_wait3A_23] : memref<128x512xf32, #tpu.memory_space<vmem>> -> memref<1x512xf32, #tpu.memory_space<vmem>>
      %dma_wait3A_25 = tpu.memref_squeeze %dma_wait3A_24 : memref<1x512xf32, #tpu.memory_space<vmem>> -> memref<512xf32, #tpu.memory_space<vmem>>
      %dma_wait3A_26 = arith.constant 0 : i32
      %dma_wait3A_27 = tpu.memref_slice %arg2[%dma_wait3A, %dma_wait3A_21, %dma_wait3A_26] : memref<128x512x512xf32, #tpu.memory_space<hbm>> -> memref<1x1x512xf32, #tpu.memory_space<hbm>>
      %dma_wait3A_28 = tpu.memref_squeeze %dma_wait3A_27 : memref<1x1x512xf32, #tpu.memory_space<hbm>> -> memref<512xf32, #tpu.memory_space<hbm>>
      tpu.wait_dma2 semaphore(%arg6 : memref<!tpu.dma_semaphore, #tpu.memory_space<semaphore_mem>>) src(%dma_wait3A_28 : memref<512xf32, #tpu.memory_space<hbm>>) dst(%dma_wait3A_25 : memref<512xf32, #tpu.memory_space<vmem>>)
    }
    %iota3A = tpu.iota {dimensions = array<i32: 1>} : vector<512x512xi32>
    %iota3A_8 = tpu.iota {dimensions = array<i32: 0>} : vector<512x512xi32>
    %iota3A_9 = tpu.iota {dimensions = array<i32: 1>} : vector<512x160xi32>
    %iota3A_10 = tpu.iota {dimensions = array<i32: 0>} : vector<512x160xi32>
    %convert_element_type3A = arith.sitofp %iota3A_10 : vector<512x160xi32> to vector<512x160xf32>
    %scan3A_11 = arith.constant 0 : i32
    %scan3A_12 = arith.constant 128 : i32
    %scan3A_13 = arith.addi %scan3A_11, %scan3A_12 : i32
    %scan3A_14 = arith.constant 1 : i32
    scf.for %scan3A_20 = %scan3A_11 to %scan3A_13 step %scan3A_14  : i32 {
      %get3A_21 = arith.index_cast %scan3A_20 : i32 to index
      %get3A_22 = arith.constant 0 : index
      %get3A_23 = memref.load %arg0[%get3A_21, %get3A_22] : memref<128x8xi32, #tpu.memory_space<smem>>
      %get3A_24 = arith.index_cast %scan3A_20 : i32 to index
      %get3A_25 = arith.constant 0 : index
      %get3A_26 = vector.load %arg1[%get3A_24, %get3A_25] : memref<128x512xi32, #tpu.memory_space<vmem>>, vector<1x512xi32>
      %get3A_27 = arith.index_cast %scan3A_20 : i32 to index
      %get3A_28 = arith.constant 0 : index
      %get3A_29 = vector.load %arg4[%get3A_27, %get3A_28] : memref<128x512xf32, #tpu.memory_space<vmem>>, vector<1x512xf32>
      %iota3A_30 = tpu.iota {dimensions = array<i32: 1>} : vector<1x512xi32>
      %eq3A = vector.broadcast %get3A_23 : i32 to vector<1x512xi32>
      %eq3A_31 = arith.cmpi eq, %iota3A_30, %eq3A : vector<1x512xi32>
      %jit3A = arith.constant -1.000000e+00 : f32
      %broadcast_in_dim3A = vector.broadcast %jit3A : f32 to vector<1x512xf32>
      %select_n3A = arith.select %eq3A_31, %broadcast_in_dim3A, %get3A_29 : vector<1x512xi1>, vector<1x512xf32>
      %ne3A = arith.constant 0 : i32
      %ne3A_32 = vector.broadcast %ne3A : i32 to vector<1x512xi32>
      %ne3A_33 = arith.cmpi ne, %get3A_26, %ne3A_32 : vector<1x512xi32>
      %jit3A_34 = arith.constant 0.000000e+00 : f32
      %broadcast_in_dim3A_35 = vector.broadcast %jit3A_34 : f32 to vector<1x512xf32>
      %select_n3A_36 = arith.select %ne3A_33, %select_n3A, %broadcast_in_dim3A_35 : vector<1x512xi1>, vector<1x512xf32>
      %broadcast_in_dim3A_37 = vector.shape_cast %select_n3A_36 : vector<1x512xf32> to vector<1x512xf32>
      %broadcast_in_dim3A_38 = vector.broadcast %broadcast_in_dim3A_37 : vector<1x512xf32> to vector<512x512xf32>
      %transpose3A_39 = tpu.transpose %broadcast_in_dim3A_38, [1, 0] : vector<512x512xf32> -> vector<512x512xf32>
      %gt3A = arith.cmpf ogt, %broadcast_in_dim3A_38, %transpose3A_39 : vector<512x512xf32>
      %eq3A_40 = arith.cmpf oeq, %broadcast_in_dim3A_38, %transpose3A_39 : vector<512x512xf32>
      %lt3A = arith.cmpi slt, %iota3A, %iota3A_8 : vector<512x512xi32>
      %and3A = arith.andi %eq3A_40, %lt3A : vector<512x512xi1>
      %or3A = arith.ori %gt3A, %and3A : vector<512x512xi1>
      %convert_element_type3A_41 = arith.extui %or3A : vector<512x512xi1> to vector<512x512xi32>
      %convert_element_type3A_42 = arith.sitofp %convert_element_type3A_41 : vector<512x512xi32> to vector<512x512xf32>
      %reduce_sum3A = arith.constant dense<0.000000e+00> : vector<512xf32>
      %reduce_sum3A_43 = vector.multi_reduction <add>, %convert_element_type3A_42, %reduce_sum3A [1] : vector<512x512xf32> to vector<512xf32>
      %broadcast_in_dim3A_44 = vector.shape_cast %reduce_sum3A_43 : vector<512xf32> to vector<512x1xf32>
      %convert_element_type3A_45 = arith.fptosi %broadcast_in_dim3A_44 : vector<512x1xf32> to vector<512x1xi32>
      %eq3A_46 = vector.broadcast %convert_element_type3A_45 : vector<512x1xi32> to vector<512x160xi32>
      %eq3A_47 = arith.cmpi eq, %eq3A_46, %iota3A_9 : vector<512x160xi32>
      %convert_element_type3A_48 = arith.extui %eq3A_47 : vector<512x160xi1> to vector<512x160xi32>
      %convert_element_type3A_49 = arith.sitofp %convert_element_type3A_48 : vector<512x160xi32> to vector<512x160xf32>
      %mul3A = arith.mulf %convert_element_type3A_49, %convert_element_type3A : vector<512x160xf32>
      %reduce_sum3A_50 = arith.constant dense<0.000000e+00> : vector<160xf32>
      %reduce_sum3A_51 = vector.multi_reduction <add>, %mul3A, %reduce_sum3A_50 [0] : vector<512x160xf32> to vector<160xf32>
      %broadcast_in_dim3A_52 = vector.shape_cast %reduce_sum3A_51 : vector<160xf32> to vector<1x160xf32>
      %convert_element_type3A_53 = arith.fptosi %broadcast_in_dim3A_52 : vector<1x160xf32> to vector<1x160xi32>
      %mul3A_54 = arith.constant 512 : i32
      %mul3A_55 = arith.muli %scan3A_20, %mul3A_54 : i32
      %add3A = vector.broadcast %mul3A_55 : i32 to vector<1x160xi32>
      %add3A_56 = arith.addi %convert_element_type3A_53, %add3A : vector<1x160xi32>
      %swap3A_57 = arith.index_cast %scan3A_20 : i32 to index
      %swap3A_58 = arith.constant 0 : index
      %swap3A_59 = vector.load %arg5[%swap3A_57, %swap3A_58] : memref<128x160xi32, #tpu.memory_space<vmem>>, vector<1x160xi32>
      tpu.vector_store %arg5[%swap3A_57, %swap3A_58], %add3A_56 {strides = array<i32>} : memref<128x160xi32, #tpu.memory_space<vmem>>, vector<1x160xi32>,
    }
    %scan3A_15 = arith.constant 128 : i32
    %get3A = arith.constant 0 : index
    %get3A_16 = arith.constant 0 : index
    %get3A_17 = vector.load %arg5[%get3A, %get3A_16] : memref<128x160xi32, #tpu.memory_space<vmem>>, vector<128x160xi32>
    %transpose3A = tpu.transpose %get3A_17, [1, 0] : vector<128x160xi32> -> vector<160x128xi32>
    %swap3A = arith.constant 0 : index
    %swap3A_18 = arith.constant 0 : index
    %swap3A_19 = vector.load %arg3[%swap3A, %swap3A_18] : memref<160x128xi32, #tpu.memory_space<vmem>>, vector<160x128xi32>
    tpu.vector_store %arg3[%swap3A, %swap3A_18], %transpose3A {strides = array<i32>} : memref<160x128xi32, #tpu.memory_space<vmem>>, vector<160x128xi32>,
    return
  }
}

module attributes {stable_mosaic.version = 14 : i64} {
  func.func @_stats_body(%arg0: i32, %arg1: memref<1224x512xf32, #tpu.memory_space<vmem>>, %arg2: memref<512x512xf32, #tpu.memory_space<vmem>>, %arg3: memref<1x512xf32, #tpu.memory_space<vmem>>, %arg4: memref<8x512xf32, #tpu.memory_space<vmem>>) attributes {dimension_semantics = [#tpu.dimension_semantics<arbitrary>], iteration_bounds = array<i64: 16>, scalar_prefetch = 0 : i64, scratch_operands = 0 : i64, tpu.core_type = #tpu.core_type<tc>, window_params = [{transform_indices = @transform_0, window_bounds = array<i64: 1224, 512>}, {pipeline_mode = #tpu.pipeline_mode<synchronous>, transform_indices = @transform_1, window_bounds = array<i64: 512, 512>}, {pipeline_mode = #tpu.pipeline_mode<synchronous>, transform_indices = @transform_2, window_bounds = array<i64: 1, 512>}, {pipeline_mode = #tpu.pipeline_mode<synchronous>, transform_indices = @transform_3, window_bounds = array<i64: 8, 512>}]} {
    %eq3A = arith.constant 0 : i32
    %eq3A_0 = arith.cmpi eq, %arg0, %eq3A : i32
    %convert_element_type3A = arith.extui %eq3A_0 : i1 to i32
    %cond3A = arith.constant 0 : i32
    %cond3A_1 = arith.cmpi ne, %convert_element_type3A, %cond3A : i32
    scf.if %cond3A_1 {
      %broadcast_in_dim3A_37 = arith.constant 0.000000e+00 : f32
      %broadcast_in_dim3A_38 = vector.broadcast %broadcast_in_dim3A_37 : f32 to vector<8x512xf32>
      %swap3A_39 = arith.constant 0 : index
      %swap3A_40 = arith.constant 0 : index
      %swap3A_41 = vector.load %arg4[%swap3A_39, %swap3A_40] : memref<8x512xf32, #tpu.memory_space<vmem>>, vector<8x512xf32>
      tpu.vector_store %arg4[%swap3A_39, %swap3A_40], %broadcast_in_dim3A_38 {strides = array<i32>} : memref<8x512xf32, #tpu.memory_space<vmem>>, vector<8x512xf32>,
    } else {
    }
    %get3A = arith.constant 0 : index
    %get3A_2 = arith.constant 0 : index
    %get3A_3 = vector.load %arg1[%get3A, %get3A_2] : memref<1224x512xf32, #tpu.memory_space<vmem>>, vector<1224x512xf32>
    %mul3A = arith.mulf %get3A_3, %get3A_3 : vector<1224x512xf32>
    %reduce_sum3A = arith.constant dense<0.000000e+00> : vector<1224xf32>
    %reduce_sum3A_4 = vector.multi_reduction <add>, %mul3A, %reduce_sum3A [1] : vector<1224x512xf32> to vector<1224xf32>
    %broadcast_in_dim3A = vector.shape_cast %reduce_sum3A_4 : vector<1224xf32> to vector<1224x1xf32>
    %sqrt3A = math.sqrt %broadcast_in_dim3A : vector<1224x1xf32>
    %add3A = arith.constant 9.99999993E-9 : f32
    %add3A_5 = vector.broadcast %add3A : f32 to vector<1224x1xf32>
    %add3A_6 = arith.addf %sqrt3A, %add3A_5 : vector<1224x1xf32>
    %div3A = vector.broadcast %add3A_6 : vector<1224x1xf32> to vector<1224x512xf32>
    %div3A_7 = arith.divf %get3A_3, %div3A : vector<1224x512xf32>
    %get3A_8 = arith.constant 0 : index
    %get3A_9 = arith.constant 0 : index
    %get3A_10 = vector.load %arg2[%get3A_8, %get3A_9] : memref<512x512xf32, #tpu.memory_space<vmem>>, vector<512x512xf32>
    %dot_general3A = arith.constant dense<0.000000e+00> : vector<1224x512xf32>
    %dot_general3A_11 = tpu.matmul %div3A_7, %get3A_10, %dot_general3A {dimension_numbers = #tpu.dot_dimension_numbers<[1], [1], [0], [0], [0, 0, 1, 0], [], []>, transpose_lhs_hint = false} : vector<1224x512xf32>, vector<512x512xf32>, vector<1224x512xf32> -> vector<1224x512xf32>
    %get3A_12 = arith.constant 0 : index
    %get3A_13 = arith.constant 0 : index
    %get3A_14 = vector.load %arg3[%get3A_12, %get3A_13] : memref<1x512xf32, #tpu.memory_space<vmem>>, vector<1x512xf32>
    %add3A_15 = vector.broadcast %get3A_14 : vector<1x512xf32> to vector<1224x512xf32>
    %add3A_16 = arith.addf %dot_general3A_11, %add3A_15 : vector<1224x512xf32>
    %get3A_17 = arith.constant 0 : index
    %get3A_18 = arith.constant 0 : index
    %get3A_19 = vector.load %arg4[%get3A_17, %get3A_18] : memref<8x512xf32, #tpu.memory_space<vmem>>, vector<1x512xf32>
    %reduce_sum3A_20 = arith.constant dense<0.000000e+00> : vector<512xf32>
    %reduce_sum3A_21 = vector.multi_reduction <add>, %add3A_16, %reduce_sum3A_20 [0] : vector<1224x512xf32> to vector<512xf32>
    %broadcast_in_dim3A_22 = vector.shape_cast %reduce_sum3A_21 : vector<512xf32> to vector<1x512xf32>
    %add3A_23 = arith.addf %get3A_19, %broadcast_in_dim3A_22 : vector<1x512xf32>
    %swap3A = arith.constant 0 : index
    %swap3A_24 = arith.constant 0 : index
    %swap3A_25 = vector.load %arg4[%swap3A, %swap3A_24] : memref<8x512xf32, #tpu.memory_space<vmem>>, vector<1x512xf32>
    tpu.vector_store %arg4[%swap3A, %swap3A_24], %add3A_23 {strides = array<i32>} : memref<8x512xf32, #tpu.memory_space<vmem>>, vector<1x512xf32>,
    %get3A_26 = arith.constant 1 : index
    %get3A_27 = arith.constant 0 : index
    %get3A_28 = vector.load %arg4[%get3A_26, %get3A_27] : memref<8x512xf32, #tpu.memory_space<vmem>>, vector<1x512xf32>
    %mul3A_29 = arith.mulf %add3A_16, %add3A_16 : vector<1224x512xf32>
    %reduce_sum3A_30 = arith.constant dense<0.000000e+00> : vector<512xf32>
    %reduce_sum3A_31 = vector.multi_reduction <add>, %mul3A_29, %reduce_sum3A_30 [0] : vector<1224x512xf32> to vector<512xf32>
    %broadcast_in_dim3A_32 = vector.shape_cast %reduce_sum3A_31 : vector<512xf32> to vector<1x512xf32>
    %add3A_33 = arith.addf %get3A_28, %broadcast_in_dim3A_32 : vector<1x512xf32>
    %swap3A_34 = arith.constant 1 : index
    %swap3A_35 = arith.constant 0 : index
    %swap3A_36 = vector.load %arg4[%swap3A_34, %swap3A_35] : memref<8x512xf32, #tpu.memory_space<vmem>>, vector<1x512xf32>
    tpu.vector_store %arg4[%swap3A_34, %swap3A_35], %add3A_33 {strides = array<i32>} : memref<8x512xf32, #tpu.memory_space<vmem>>, vector<1x512xf32>,
    return
  }
  func.func @transform_0(%arg0: i32) -> (i32, i32) {
    %c0_i32 = arith.constant 0 : i32
    %c0_i32_0 = arith.constant 0 : i32
    return %arg0, %c0_i32 : i32, i32
  }
  func.func @transform_1(%arg0: i32) -> (i32, i32) {
    %c0_i32 = arith.constant 0 : i32
    %c0_i32_0 = arith.constant 0 : i32
    %c0_i32_1 = arith.constant 0 : i32
    return %c0_i32, %c0_i32_0 : i32, i32
  }
  func.func @transform_2(%arg0: i32) -> (i32, i32) {
    %c0_i32 = arith.constant 0 : i32
    %c0_i32_0 = arith.constant 0 : i32
    %c0_i32_1 = arith.constant 0 : i32
    return %c0_i32, %c0_i32_0 : i32, i32
  }
  func.func @transform_3(%arg0: i32) -> (i32, i32) {
    %c0_i32 = arith.constant 0 : i32
    %c0_i32_0 = arith.constant 0 : i32
    %c0_i32_1 = arith.constant 0 : i32
    return %c0_i32, %c0_i32_0 : i32, i32
  }
}

module attributes {stable_mosaic.version = 14 : i64} {
  func.func @_amax_body(%arg0: memref<128x512xi32, #tpu.memory_space<vmem>>, %arg1: memref<128x8xi32, #tpu.memory_space<vmem>>) attributes {dimension_semantics = [], scalar_prefetch = 0 : i64, scratch_operands = 0 : i64, tpu.core_type = #tpu.core_type<tc>} {
    %get3A = arith.constant 0 : index
    %get3A_0 = arith.constant 0 : index
    %get3A_1 = vector.load %arg0[%get3A, %get3A_0] : memref<128x512xi32, #tpu.memory_space<vmem>>, vector<128x512xi32>
    %reduce_max3A = arith.constant dense<-2147483648> : vector<128xi32>
    %reduce_max3A_2 = vector.multi_reduction <maxsi>, %get3A_1, %reduce_max3A [1] : vector<128x512xi32> to vector<128xi32>
    %broadcast_in_dim3A = vector.shape_cast %reduce_max3A_2 : vector<128xi32> to vector<128x1xi32>
    %iota3A = tpu.iota {dimensions = array<i32: 1>} : vector<128x512xi32>
    %eq3A = vector.broadcast %broadcast_in_dim3A : vector<128x1xi32> to vector<128x512xi32>
    %eq3A_3 = arith.cmpi eq, %get3A_1, %eq3A : vector<128x512xi32>
    %jit3A = arith.constant 512 : i32
    %broadcast_in_dim3A_4 = vector.broadcast %jit3A : i32 to vector<128x512xi32>
    %select_n3A = arith.select %eq3A_3, %iota3A, %broadcast_in_dim3A_4 : vector<128x512xi1>, vector<128x512xi32>
    %reduce_min3A = arith.constant dense<2147483647> : vector<128xi32>
    %reduce_min3A_5 = vector.multi_reduction <minsi>, %select_n3A, %reduce_min3A [1] : vector<128x512xi32> to vector<128xi32>
    %broadcast_in_dim3A_6 = vector.shape_cast %reduce_min3A_5 : vector<128xi32> to vector<128x1xi32>
    %broadcast_in_dim3A_7 = vector.shape_cast %broadcast_in_dim3A_6 : vector<128x1xi32> to vector<128x1xi32>
    %broadcast_in_dim3A_8 = vector.broadcast %broadcast_in_dim3A_7 : vector<128x1xi32> to vector<128x8xi32>
    %swap3A = arith.constant 0 : index
    %swap3A_9 = arith.constant 0 : index
    %swap3A_10 = vector.load %arg1[%swap3A, %swap3A_9] : memref<128x8xi32, #tpu.memory_space<vmem>>, vector<128x8xi32>
    tpu.vector_store %arg1[%swap3A, %swap3A_9], %broadcast_in_dim3A_8 {strides = array<i32>} : memref<128x8xi32, #tpu.memory_space<vmem>>, vector<128x8xi32>,
    return
  }
}

module attributes {stable_mosaic.version = 14 : i64} {
  func.func @_final_body(%arg0: i32, %arg1: memref<1224x512xf32, #tpu.memory_space<vmem>>, %arg2: memref<512x512xf32, #tpu.memory_space<vmem>>, %arg3: memref<1x512xf32, #tpu.memory_space<vmem>>, %arg4: memref<8x512xf32, #tpu.memory_space<vmem>>, %arg5: memref<1x512xf32, #tpu.memory_space<vmem>>, %arg6: memref<1x512xf32, #tpu.memory_space<vmem>>, %arg7: memref<1024x512xf32, #tpu.memory_space<vmem>>, %arg8: memref<1x1024xf32, #tpu.memory_space<vmem>>, %arg9: memref<1024x512xf32, #tpu.memory_space<vmem>>, %arg10: memref<1x1024xf32, #tpu.memory_space<vmem>>, %arg11: memref<1224x1024xf32, #tpu.memory_space<vmem>>) attributes {dimension_semantics = [#tpu.dimension_semantics<arbitrary>], iteration_bounds = array<i64: 16>, scalar_prefetch = 0 : i64, scratch_operands = 0 : i64, tpu.core_type = #tpu.core_type<tc>, window_params = [{transform_indices = @transform_0, window_bounds = array<i64: 1224, 512>}, {pipeline_mode = #tpu.pipeline_mode<synchronous>, transform_indices = @transform_1, window_bounds = array<i64: 512, 512>}, {pipeline_mode = #tpu.pipeline_mode<synchronous>, transform_indices = @transform_2, window_bounds = array<i64: 1, 512>}, {pipeline_mode = #tpu.pipeline_mode<synchronous>, transform_indices = @transform_3, window_bounds = array<i64: 8, 512>}, {pipeline_mode = #tpu.pipeline_mode<synchronous>, transform_indices = @transform_4, window_bounds = array<i64: 1, 512>}, {pipeline_mode = #tpu.pipeline_mode<synchronous>, transform_indices = @transform_5, window_bounds = array<i64: 1, 512>}, {pipeline_mode = #tpu.pipeline_mode<synchronous>, transform_indices = @transform_6, window_bounds = array<i64: 1024, 512>}, {pipeline_mode = #tpu.pipeline_mode<synchronous>, transform_indices = @transform_7, window_bounds = array<i64: 1, 1024>}, {pipeline_mode = #tpu.pipeline_mode<synchronous>, transform_indices = @transform_8, window_bounds = array<i64: 1024, 512>}, {pipeline_mode = #tpu.pipeline_mode<synchronous>, transform_indices = @transform_9, window_bounds = array<i64: 1, 1024>}, {transform_indices = @transform_10, window_bounds = array<i64: 1224, 1024>}]} {
    %get3A = arith.constant 0 : index
    %get3A_0 = arith.constant 0 : index
    %get3A_1 = vector.load %arg1[%get3A, %get3A_0] : memref<1224x512xf32, #tpu.memory_space<vmem>>, vector<1224x512xf32>
    %mul3A = arith.mulf %get3A_1, %get3A_1 : vector<1224x512xf32>
    %reduce_sum3A = arith.constant dense<0.000000e+00> : vector<1224xf32>
    %reduce_sum3A_2 = vector.multi_reduction <add>, %mul3A, %reduce_sum3A [1] : vector<1224x512xf32> to vector<1224xf32>
    %broadcast_in_dim3A = vector.shape_cast %reduce_sum3A_2 : vector<1224xf32> to vector<1224x1xf32>
    %sqrt3A = math.sqrt %broadcast_in_dim3A : vector<1224x1xf32>
    %add3A = arith.constant 9.99999993E-9 : f32
    %add3A_3 = vector.broadcast %add3A : f32 to vector<1224x1xf32>
    %add3A_4 = arith.addf %sqrt3A, %add3A_3 : vector<1224x1xf32>
    %div3A = vector.broadcast %add3A_4 : vector<1224x1xf32> to vector<1224x512xf32>
    %div3A_5 = arith.divf %get3A_1, %div3A : vector<1224x512xf32>
    %get3A_6 = arith.constant 0 : index
    %get3A_7 = arith.constant 0 : index
    %get3A_8 = vector.load %arg2[%get3A_6, %get3A_7] : memref<512x512xf32, #tpu.memory_space<vmem>>, vector<512x512xf32>
    %dot_general3A = arith.constant dense<0.000000e+00> : vector<1224x512xf32>
    %dot_general3A_9 = tpu.matmul %div3A_5, %get3A_8, %dot_general3A {dimension_numbers = #tpu.dot_dimension_numbers<[1], [1], [0], [0], [0, 0, 1, 0], [], []>, transpose_lhs_hint = false} : vector<1224x512xf32>, vector<512x512xf32>, vector<1224x512xf32> -> vector<1224x512xf32>
    %get3A_10 = arith.constant 0 : index
    %get3A_11 = arith.constant 0 : index
    %get3A_12 = vector.load %arg3[%get3A_10, %get3A_11] : memref<1x512xf32, #tpu.memory_space<vmem>>, vector<1x512xf32>
    %add3A_13 = vector.broadcast %get3A_12 : vector<1x512xf32> to vector<1224x512xf32>
    %add3A_14 = arith.addf %dot_general3A_9, %add3A_13 : vector<1224x512xf32>
    %get3A_15 = arith.constant 0 : index
    %get3A_16 = arith.constant 0 : index
    %get3A_17 = vector.load %arg4[%get3A_15, %get3A_16] : memref<8x512xf32, #tpu.memory_space<vmem>>, vector<1x512xf32>
    %mul3A_18 = arith.constant 5.10620921E-5 : f32
    %mul3A_19 = vector.broadcast %mul3A_18 : f32 to vector<1x512xf32>
    %mul3A_20 = arith.mulf %get3A_17, %mul3A_19 : vector<1x512xf32>
    %get3A_21 = arith.constant 1 : index
    %get3A_22 = arith.constant 0 : index
    %get3A_23 = vector.load %arg4[%get3A_21, %get3A_22] : memref<8x512xf32, #tpu.memory_space<vmem>>, vector<1x512xf32>
    %mul3A_24 = arith.constant 5.10620921E-5 : f32
    %mul3A_25 = vector.broadcast %mul3A_24 : f32 to vector<1x512xf32>
    %mul3A_26 = arith.mulf %get3A_23, %mul3A_25 : vector<1x512xf32>
    %mul3A_27 = arith.mulf %mul3A_20, %mul3A_20 : vector<1x512xf32>
    %sub3A = arith.subf %mul3A_26, %mul3A_27 : vector<1x512xf32>
    %sub3A_28 = vector.broadcast %mul3A_20 : vector<1x512xf32> to vector<1224x512xf32>
    %sub3A_29 = arith.subf %add3A_14, %sub3A_28 : vector<1224x512xf32>
    %add3A_30 = arith.constant 9.99999974E-6 : f32
    %add3A_31 = vector.broadcast %add3A_30 : f32 to vector<1x512xf32>
    %add3A_32 = arith.addf %sub3A, %add3A_31 : vector<1x512xf32>
    %sqrt3A_33 = math.sqrt %add3A_32 : vector<1x512xf32>
    %div3A_34 = vector.broadcast %sqrt3A_33 : vector<1x512xf32> to vector<1224x512xf32>
    %div3A_35 = arith.divf %sub3A_29, %div3A_34 : vector<1224x512xf32>
    %get3A_36 = arith.constant 0 : index
    %get3A_37 = arith.constant 0 : index
    %get3A_38 = vector.load %arg5[%get3A_36, %get3A_37] : memref<1x512xf32, #tpu.memory_space<vmem>>, vector<1x512xf32>
    %mul3A_39 = vector.broadcast %get3A_38 : vector<1x512xf32> to vector<1224x512xf32>
    %mul3A_40 = arith.mulf %div3A_35, %mul3A_39 : vector<1224x512xf32>
    %get3A_41 = arith.constant 0 : index
    %get3A_42 = arith.constant 0 : index
    %get3A_43 = vector.load %arg6[%get3A_41, %get3A_42] : memref<1x512xf32, #tpu.memory_space<vmem>>, vector<1x512xf32>
    %add3A_44 = vector.broadcast %get3A_43 : vector<1x512xf32> to vector<1224x512xf32>
    %add3A_45 = arith.addf %mul3A_40, %add3A_44 : vector<1224x512xf32>
    %max3A = arith.constant 0.000000e+00 : f32
    %max3A_46 = vector.broadcast %max3A : f32 to vector<1224x512xf32>
    %max3A_47 = arith.maximumf %add3A_45, %max3A_46 : vector<1224x512xf32>
    %get3A_48 = arith.constant 0 : index
    %get3A_49 = arith.constant 0 : index
    %get3A_50 = vector.load %arg7[%get3A_48, %get3A_49] : memref<1024x512xf32, #tpu.memory_space<vmem>>, vector<1024x512xf32>
    %dot_general3A_51 = arith.constant dense<0.000000e+00> : vector<1224x1024xf32>
    %dot_general3A_52 = tpu.matmul %max3A_47, %get3A_50, %dot_general3A_51 {dimension_numbers = #tpu.dot_dimension_numbers<[1], [1], [0], [0], [0, 0, 1, 0], [], []>, transpose_lhs_hint = false} : vector<1224x512xf32>, vector<1024x512xf32>, vector<1224x1024xf32> -> vector<1224x1024xf32>
    %get3A_53 = arith.constant 0 : index
    %get3A_54 = arith.constant 0 : index
    %get3A_55 = vector.load %arg8[%get3A_53, %get3A_54] : memref<1x1024xf32, #tpu.memory_space<vmem>>, vector<1x1024xf32>
    %add3A_56 = vector.broadcast %get3A_55 : vector<1x1024xf32> to vector<1224x1024xf32>
    %add3A_57 = arith.addf %dot_general3A_52, %add3A_56 : vector<1224x1024xf32>
    %mul3A_58 = arith.constant 8.193000e+03 : f32
    %mul3A_59 = vector.broadcast %mul3A_58 : f32 to vector<1224x512xf32>
    %mul3A_60 = arith.mulf %div3A_5, %mul3A_59 : vector<1224x512xf32>
    %sub3A_61 = arith.subf %mul3A_60, %div3A_5 : vector<1224x512xf32>
    %sub3A_62 = arith.subf %mul3A_60, %sub3A_61 : vector<1224x512xf32>
    %add3A_63 = arith.constant 7.500000e-01 : f32
    %add3A_64 = vector.broadcast %add3A_63 : f32 to vector<1224x512xf32>
    %add3A_65 = arith.addf %div3A_5, %add3A_64 : vector<1224x512xf32>
    %sub3A_66 = arith.constant 7.500000e-01 : f32
    %sub3A_67 = vector.broadcast %sub3A_66 : f32 to vector<1224x512xf32>
    %sub3A_68 = arith.subf %add3A_65, %sub3A_67 : vector<1224x512xf32>
    %abs3A = math.absf %div3A_5 : vector<1224x512xf32>
    %lt3A = arith.constant 6.10351563E-5 : f32
    %lt3A_69 = vector.broadcast %lt3A : f32 to vector<1224x512xf32>
    %lt3A_70 = arith.cmpf olt, %abs3A, %lt3A_69 : vector<1224x512xf32>
    %select_n3A = arith.select %lt3A_70, %sub3A_68, %sub3A_62 : vector<1224x512xi1>, vector<1224x512xf32>
    %get3A_71 = arith.constant 0 : index
    %get3A_72 = arith.constant 0 : index
    %get3A_73 = vector.load %arg9[%get3A_71, %get3A_72] : memref<1024x512xf32, #tpu.memory_space<vmem>>, vector<1024x512xf32>
    %dot_general3A_74 = arith.constant dense<0.000000e+00> : vector<1224x1024xf32>
    %dot_general3A_75 = tpu.matmul %select_n3A, %get3A_73, %dot_general3A_74 {dimension_numbers = #tpu.dot_dimension_numbers<[1], [1], [0], [0], [0, 0, 1, 0], [], []>, transpose_lhs_hint = false} : vector<1224x512xf32>, vector<1024x512xf32>, vector<1224x1024xf32> -> vector<1224x1024xf32>
    %add3A_76 = arith.addf %add3A_57, %dot_general3A_75 : vector<1224x1024xf32>
    %get3A_77 = arith.constant 0 : index
    %get3A_78 = arith.constant 0 : index
    %get3A_79 = vector.load %arg10[%get3A_77, %get3A_78] : memref<1x1024xf32, #tpu.memory_space<vmem>>, vector<1x1024xf32>
    %add3A_80 = vector.broadcast %get3A_79 : vector<1x1024xf32> to vector<1224x1024xf32>
    %add3A_81 = arith.addf %add3A_76, %add3A_80 : vector<1224x1024xf32>
    %swap3A = arith.constant 0 : index
    %swap3A_82 = arith.constant 0 : index
    %swap3A_83 = vector.load %arg11[%swap3A, %swap3A_82] : memref<1224x1024xf32, #tpu.memory_space<vmem>>, vector<1224x1024xf32>
    tpu.vector_store %arg11[%swap3A, %swap3A_82], %add3A_81 {strides = array<i32>} : memref<1224x1024xf32, #tpu.memory_space<vmem>>, vector<1224x1024xf32>,
    return
  }
  func.func @transform_0(%arg0: i32) -> (i32, i32) {
    %c0_i32 = arith.constant 0 : i32
    %c0_i32_0 = arith.constant 0 : i32
    return %arg0, %c0_i32 : i32, i32
  }
  func.func @transform_1(%arg0: i32) -> (i32, i32) {
    %c0_i32 = arith.constant 0 : i32
    %c0_i32_0 = arith.constant 0 : i32
    %c0_i32_1 = arith.constant 0 : i32
    return %c0_i32, %c0_i32_0 : i32, i32
  }
  func.func @transform_2(%arg0: i32) -> (i32, i32) {
    %c0_i32 = arith.constant 0 : i32
    %c0_i32_0 = arith.constant 0 : i32
    %c0_i32_1 = arith.constant 0 : i32
    return %c0_i32, %c0_i32_0 : i32, i32
  }
  func.func @transform_3(%arg0: i32) -> (i32, i32) {
    %c0_i32 = arith.constant 0 : i32
    %c0_i32_0 = arith.constant 0 : i32
    %c0_i32_1 = arith.constant 0 : i32
    return %c0_i32, %c0_i32_0 : i32, i32
  }
  func.func @transform_4(%arg0: i32) -> (i32, i32) {
    %c0_i32 = arith.constant 0 : i32
    %c0_i32_0 = arith.constant 0 : i32
    %c0_i32_1 = arith.constant 0 : i32
    return %c0_i32, %c0_i32_0 : i32, i32
  }
  func.func @transform_5(%arg0: i32) -> (i32, i32) {
    %c0_i32 = arith.constant 0 : i32
    %c0_i32_0 = arith.constant 0 : i32
    %c0_i32_1 = arith.constant 0 : i32
    return %c0_i32, %c0_i32_0 : i32, i32
  }
  func.func @transform_6(%arg0: i32) -> (i32, i32) {
    %c0_i32 = arith.constant 0 : i32
    %c0_i32_0 = arith.constant 0 : i32
    %c0_i32_1 = arith.constant 0 : i32
    return %c0_i32, %c0_i32_0 : i32, i32
  }
  func.func @transform_7(%arg0: i32) -> (i32, i32) {
    %c0_i32 = arith.constant 0 : i32
    %c0_i32_0 = arith.constant 0 : i32
    %c0_i32_1 = arith.constant 0 : i32
    return %c0_i32, %c0_i32_0 : i32, i32
  }
  func.func @transform_8(%arg0: i32) -> (i32, i32) {
    %c0_i32 = arith.constant 0 : i32
    %c0_i32_0 = arith.constant 0 : i32
    %c0_i32_1 = arith.constant 0 : i32
    return %c0_i32, %c0_i32_0 : i32, i32
  }
  func.func @transform_9(%arg0: i32) -> (i32, i32) {
    %c0_i32 = arith.constant 0 : i32
    %c0_i32_0 = arith.constant 0 : i32
    %c0_i32_1 = arith.constant 0 : i32
    return %c0_i32, %c0_i32_0 : i32, i32
  }
  func.func @transform_10(%arg0: i32) -> (i32, i32) {
    %c0_i32 = arith.constant 0 : i32
    %c0_i32_0 = arith.constant 0 : i32
    return %arg0, %c0_i32 : i32, i32
  }
}

</mosaic_0001>

<sc_bundles>
// kernel: kernel.7.cloned.1.call-start
scs
__scs_entry_jumppad:
0x0: {  	(pc) =	sbr.rel $0x88, $3  }
0x1: {  	(tag) =	ssettag $0x0;
	lr =	simm.s32 $0x1  }
0x2: {  	[smem:$0x3F96] =	sst lr;
	_ =	strace $0xD0000000  }
0x3: {  	_ = 	snop  }
0x4: {  	_ = 	snop  }
0x5: {  	_ = 	snop  }
0x6: {  	_ = 	snop  }
0x7: {  	_ = 	snop  }
__scs_overlays_trampoline_lowered:
0x8: {  	[smem:$0x3FA5] =	sst s0  }
0x9: {  	[smem:$0x3FA6] =	sst s1  }
0xa: {  	[smem:$0x3FA7] =	sst s2  }
0xb: {  	[smem:$0x3FA8] =	sst s3  }
0xc: {  	[smem:$0x3FA9] =	sst s4  }
0xd: {  	[smem:$0x3FAA] =	sst s5  }
0xe: {  	[smem:$0x3FAB] =	sst s6  }
0xf: {  	[smem:$0x3FAC] =	sst s7  }
0x10: {  	[smem:$0x3FAD] =	sst s8  }
0x11: {  	[smem:$0x3FAE] =	sst s9;
	s0 =	simm.s32 @!p0 $0x0  }
0x12: {  	s1 =	sld [smem:$0x3F94];
	s0 =	simm.s32 @p0 $0x1  }
0x13: {  	[smem:$0x3FAF] =	sst s0;
	s0 =	simm.s32 @!p1 $0x0  }
0x14: {  	s2 =	sld [smem:$0x3F93];
	s0 =	simm.s32 @p1 $0x1  }
0x15: {  	[smem:$0x3FB0] =	sst s0;
	s0 =	simm.s32 @!p2 $0x0  }
0x16: {  	s3 =	sld [smem:$0x3FDB];
	s0 =	simm.s32 @p2 $0x1  }
0x17: {  	s4 =	simm.s32 $0x1BF5;
	[smem:$0x3FB2] =	sst s0  }
0x18: {  	s0 =	sld [smem:$0x3F95];
	_ =	swait.ge [sflag:s4], $0x0  }
0x19: {  	s7 =	sld [smem:$0x3F96]  }
0x1a: {  	s8 =	sadd.s32 $0xFFFFE003, lr  }
0x1b: {  	s9 =	sadd.s32 $0xFFFFFEF7, lr;
	s5 =	simm.s32 $0xFFFFFFFF;
	p2 =	slt.u32 s8, $0xFFFFF086  }
0x1c: {  	p1 =	slt.u32 s9, $0xF7A;
	s5 =	simm.s32 @!p2 $0x0  }
0x1d: {  	s5 =	simm.s32 @p1 $0x1;
	p0 =	seq.s32 s7, s2  }
0x1e: {  	s7 =	smul.u32 @!p0 $0xF7A, s2;
	p2 =	seq.s32 @!p0 s5, $0x0  }
0x1f: {  	s9 =	smul.u32 $0xF7A, s1;
	s8 =	simm.s32 @!p0 $0x1BF5;
	p2 =	por !p2, p0  }
0x20: {  	[sflag:s8] =	ssyncset.s32 @!p0 $0xFFFFF086;
	s6 =	sadd.s32 @!p0 s3, s7;
	s7 =	simm.s32 @!p0 $0x108  }
0x21: {  	s3 =	sadd.s32 s3, s9;
	s6 =	sadd.s32 @!p0 $0x88, s6;
	s7 =	simm.s32 @p2 $0x1082  }
0x22: {  	[simem:s7], [sflag:s8] =	dma.local @!p0 [hbm:s6], $0xF7A  }
0x23: {  	s9 =	sor.u32 $0xD0000000, s2;
	s6 =	simm.s32 $0x108;
	_ =	swait.ge @!p0 [sflag:s8], $0x0  }
0x24: {  	s3 =	sadd.s32 $0x88, s3;
	s6 =	simm.s32 @!p1 $0x1082;
	[sflag:s4] =	ssyncset.s32 $0xFFFFF086  }
0x25: {  	[simem:s6], [sflag:s4] =	dma.local [hbm:s3], $0xF7A  }
0x26: {  	[smem:$0x3F96] =	sst s1;
	(tag) =	ssettag s2;
	_ =	strace s9  }
0x27: {  	s1 =	sld [smem:$0x3FA6]  }
0x28: {  	s2 =	sld [smem:$0x3FA7]  }
0x29: {  	s4 =	sld [smem:$0x3FA9]  }
0x2a: {  	p0 =	seq.s32 s5, $0x0;
	s5 =	sld [smem:$0x3FAA]  }
0x2b: {  	s6 =	sld [smem:$0x3FAB]  }
0x2c: {  	s7 =	sld [smem:$0x3FAC]  }
0x2d: {  	s3 =	simm.s32 $0x108;
	s8 =	sld [smem:$0x3FAD]  }
0x2e: {  	s3 =	simm.s32 @!p0 $0x1082;
	s9 =	sld [smem:$0x3FAE]  }
0x2f: {  	lr =	sadd.s32 s0, s3;
	s0 =	sld [smem:$0x3FA5]  }
0x30: {  	s3 =	sld [smem:$0x3FA8]  }
0x31: {  	[smem:$0x3FB1] =	sst s10  }
0x32: {  	s10 =	sld [smem:$0x3FAF];
	_ =	sdelay $0x3  }
0x33: {  	p0 =	seq.s32 s10, $0x1;
	s10 =	sld [smem:$0x3FB1];
	_ =	sdelay $0x3  }
0x34: {  	[smem:$0x3FB1] =	sst s10  }
0x35: {  	s10 =	sld [smem:$0x3FB0];
	_ =	sdelay $0x3  }
0x36: {  	p1 =	seq.s32 s10, $0x1;
	s10 =	sld [smem:$0x3FB1];
	_ =	sdelay $0x3  }
0x37: {  	[smem:$0x3FB1] =	sst s10  }
0x38: {  	s10 =	sld [smem:$0x3FB2]  }
0x39: {  	_ = 	snop;
	(pc) =	sbr.ind lr, $3  }
0x3a: {  	_ = 	snop  }
0x3b: {  	_ = 	snop  }
0x3c: {  	p2 =	seq.s32 s10, $0x1;
	s10 =	sld [smem:$0x3FB1]  }
0x3d: {  	_ =	shalt  }
0x3e: {  	_ =	shalt  }
0x3f: {  	_ =	shalt  }
0x40: {  	_ =	shalt  }
0x41: {  	_ =	shalt  }
0x42: {  	_ =	shalt  }
0x43: {  	_ =	shalt  }
0x44: {  	_ =	shalt  }
0x45: {  	_ =	shalt  }
0x46: {  	_ =	shalt  }
0x47: {  	_ =	shalt  }
0x48: {  	_ =	shalt  }
0x49: {  	_ =	shalt  }
0x4a: {  	_ =	shalt  }
0x4b: {  	_ =	shalt  }
0x4c: {  	_ =	shalt  }
0x4d: {  	_ =	shalt  }
0x4e: {  	_ =	shalt  }
0x4f: {  	_ =	shalt  }
0x50: {  	_ =	shalt  }
0x51: {  	_ =	shalt  }
0x52: {  	_ =	shalt  }
0x53: {  	_ =	shalt  }
0x54: {  	_ =	shalt  }
0x55: {  	_ =	shalt  }
0x56: {  	_ =	shalt  }
0x57: {  	_ =	shalt  }
0x58: {  	_ =	shalt  }
0x59: {  	_ =	shalt  }
0x5a: {  	_ =	shalt  }
0x5b: {  	_ =	shalt  }
0x5c: {  	_ =	shalt  }
0x5d: {  	_ =	shalt  }
0x5e: {  	_ =	shalt  }
0x5f: {  	_ =	shalt  }
0x60: {  	_ =	shalt  }
0x61: {  	_ =	shalt  }
0x62: {  	_ =	shalt  }
0x63: {  	_ =	shalt  }
0x64: {  	_ =	shalt  }
0x65: {  	_ =	shalt  }
0x66: {  	_ =	shalt  }
0x67: {  	_ =	shalt  }
0x68: {  	_ =	shalt  }
0x69: {  	_ =	shalt  }
0x6a: {  	_ =	shalt  }
0x6b: {  	_ =	shalt  }
0x6c: {  	_ =	shalt  }
0x6d: {  	_ =	shalt  }
0x6e: {  	_ =	shalt  }
0x6f: {  	_ =	shalt  }
0x70: {  	_ =	shalt  }
0x71: {  	_ =	shalt  }
0x72: {  	_ =	shalt  }
0x73: {  	_ =	shalt  }
0x74: {  	_ =	shalt  }
0x75: {  	_ =	shalt  }
0x76: {  	_ =	shalt  }
0x77: {  	_ =	shalt  }
0x78: {  	_ =	shalt  }
0x79: {  	_ =	shalt  }
0x7a: {  	_ =	shalt  }
0x7b: {  	_ =	shalt  }
0x7c: {  	_ =	shalt  }
0x7d: {  	_ =	shalt  }
0x7e: {  	_ =	shalt  }
0x7f: {  	_ =	shalt  }
0x80: {  	_ =	shalt  }
0x81: {  	_ =	shalt  }
0x82: {  	_ =	shalt  }
0x83: {  	_ =	shalt  }
0x84: {  	_ =	shalt  }
0x85: {  	_ =	shalt  }
0x86: {  	_ =	shalt  }
0x87: {  	_ =	shalt  }
.Lfunc_end0:
.L_simem_size_0:
called_computation_lowered:
.L_overlay_start_0:
0x88: {  	s2 =	sld [smem:$0x3FD9]  }
0x89: {  	s3 =	sld [smem:$0x3FFE];
	_ =	sdelay $0x1  }
0x8a: {  	s1 =	srdreg.scid  }
0x8b: {  	s0 =	sand.u32 $0x1, s1  }
0x8c: {  	s17 =	sshll.u32 s0, $0xA;
	s2 =	sadd.s32 s3, s2  }
0x8d: {  	s2 =	sadd.s32 s2, s17  }
0x8e: {  	[smem:$0x3FBD] =	sst s2  }
0x8f: {  	_ = 	snop  }
0x90: {  	s2 =	sld [smem:$0x3FC9]  }
0x91: {  	s18 =	sld [smem:$0x3FD0];
	(tm) =	ssettm $0x1  }
0x92: {  	s4 =	sld [smem:$0x3FFB];
	_ =	sdelay $0x3  }
0x93: {  	_ =	strace s4  }
0x94: {  	s4 =	sld [smem:$0x3FFC];
	_ =	sdelay $0x3  }
0x95: {  	_ =	strace s4  }
0x96: {  	s4 =	sld [smem:$0x3FFD];
	_ =	sdelay $0x3  }
0x97: {  	_ =	strace s4  }
0x98: {  	_ =	strace $0x8FFFFFFF  }
0x99: {  	s19 =	sld [smem:$0x3FDB];
	_ =	sdelay $0x1  }
0x9a: {  	s5 =	simm.s32 $_scs_section_size  }
0x9b: {  	s6 =	simm.s32 $_size__tile_overlayer_lowered;
	s7 =	simm.s32 $_tile_overlayer_lowered  }
0x9c: {  	s22 =	simm.s32 $0x1BFF;
	s21 =	sshll.u32 s7, $0x1;
	s4 =	sadd.s32 s5, s19  }
0x9d: {  	s8 =	simm.s32 $0x0;
	s20 =	sshll.u32 s6, $0x1;
	s6 =	sadd.s32 s21, s4  }
0x9e: {  	[timem:s8], [sflag:s22] =	dma.local [hbm:s6], s20  }
0x9f: {  	_ =	swait.ge [sflag:s22], s20  }
0xa0: {  	s5 =	ssub.s32 $0x0, s20;
	[sflag:s22] =	ssyncset.done $0x0  }
0xa1: {  	[sflag:s22] =	ssyncadd.s32 s5;
	_ =	sdelay $0x1  }
0xa2: {  	s23 =	simm.s32 $0x1B8B  }
0xa3: {  	_ =	swait.ge [sflag:s23], $0x1  }
0xa4: {  	[sflag:s23] =	ssyncset.done $0x0  }
0xa5: {  	s25 =	simm.s32 $0x1B8E;
	s24 =	sld [smem:$0x3FFE];
	[sflag:s23] =	ssyncadd.s32 $0xFFFFFFFF  }
0xa6: {  	s26 =	simm.s32 $execute0_lowered;
	[smem:$0x3FD2] =	sst s25  }
0xa7: {  	s6 =	sshll.u32 s26, $0x1;
	_ =	strace $0x80000046;
	[dreg:$0x1] =	wrdreg $0xFFFFFFFF  }
0xa8: {  	s28 =	simm.s32 $_size_execute0_lowered;
	s4 =	sadd.s32 s4, s6;
	[dreg:$0x0] =	wrdreg $0x0  }
0xa9: {  	s6 =	sshll.u32 s28, $0x1;
	[dreg:$0x2] =	wrdreg s4  }
0xaa: {  	[dreg:$0x3] =	wrdreg s6  }
0xab: {  	[dreg:$0x4] =	wrdreg $0xC0  }
0xac: {  	_ =	task [dreg:s8], $0x5FFFF  }
0xad: {  	[dreg:$0x1] =	wrdreg $0xFFFFFFFF  }
0xae: {  	[dreg:$0x0] =	wrdreg $0x60  }
0xaf: {  	[dreg:$0x2] =	wrdreg s2  }
0xb0: {  	[dreg:$0x3] =	wrdreg s18  }
0xb1: {  	[dreg:$0x4] =	wrdreg s24  }
0xb2: {  	[dreg:$0x5] =	wrdreg $0x9  }
0xb3: {  	_ =	task.clear_ibuf [dreg:s8], $0x6FFFF;
	_ =	strace $0x90000046  }
0xb4: {  	s29 =	simm.s32 $0x9;
	_ =	strace $0x80000048  }
0xb5: {  	_ =	swait.ge [sflag:s29], $0x1  }
0xb6: {  	[sflag:s29] =	ssyncadd.s32 $0xFFFFFFFF  }
0xb7: {  	_ =	strace $0x90000048  }
0xb8: {  	_ =	sfence  }
0xb9: {  	s30 =	sld [smem:$0x0];
	_ =	sdelay $0x2  }
0xba: {  	s31 =	sshll.u32 s1, $0xD;
	s1 =	sshrl.u32 s1, $0x2  }
0xbb: {  	s3 =	sand.u32 $0x4000, s31;
	s1 =	sadd.s32 s1, s30  }
0xbc: {  	s0 =	sor.u32 s3, s0;
	s1 =	sshll.u32 s1, $0x11  }
0xbd: {  	s0 =	sor.u32 s1, s0  }
0xbe: {  	s0 =	sadd.s32 $0x8F2B, s0  }
0xbf: {  	[sflag:s0] =	ssyncadd.remote.s32 $0x1  }
0xc0: {  	_ =	sfence.sel $0xFFFF  }
0xc1: {  	[dreg:$0x0] =	wrdreg $0xFFFFFFFF;
	(pc) =	sbr.abs _section_cstart, $3  }
0xc2: {  	[dreg:$0x1] =	wrdreg $0xFFFFFFFF  }
0xc3: {  	_ =	task.clear_ibuf [dreg:s8], $0x2FFFF;
	_ =	strace $0x9FFFFFFF  }
0xc4: {  	(tm) =	ssettm $0x7FFFFFFF  }
0xc5: {  	_ =	shalt  }
tec
execute0_lowered:
.L_overlay_start_1:
0x0: {  	(tag) =	ssettag $0x1  }
0x1: {  	s1 =	rddreg [dreg:$0x0];
	s0 =	srdreg.scid  }
0x2: {  	s3 =	stileid.u32;
	s2 =	rddreg [dreg:$0x1]  }
0x3: {  	s4 =	rddreg [dreg:$0x2];
	s0 =	sand.u32 $0x1, s0;
	s3 =	sshll.u32 s3, $0x1  }
0x4: {  	s14 =	simm.s32 $0x1;
	s8 =	sadd.s32 $0x1A00, s4;
	s5 =	sor.u32 s0, s3  }
0x5: {  	s3 =	simm.s32 $0x0;
	s0 =	ssub.s32 $0x2, s0;
	s6 =	smul.u32 $0x280, s5  }
0x6: {  	[smem:$0x7FF] =	sst s3;
	s5 =	smul.u32 $0xA000, s5;
	s18 =	sshrl.u32 s0, $0x1  }
0x7: {  	_ =	strace $0x80000047;
	s0 =	ssub.s32 s0, s18;
	s7 =	sshrl.u32 s6, $0x3  }
0x8: {  	s16 =	sadd.s32 s8, s5;
	s17 =	sadd.s32 $0x80, s6;
	s9 =	sadd.s32 $0x100, s6  }
0x9: {  	s25 =	sadd.s32 $0x180, s6;
	s6 =	sadd.s32 $0x200, s6;
	s15 =	sadd.s32 s2, s7  }
0xa: {  	[dreg:$0x5] =	wrdreg s16;
	s19 =	sshrl.u32 s17, $0x3;
	s5 =	sshll.u32 s17, $0x6  }
0xb: {  	s21 =	sshrl.u32 s9, $0x3;
	[dreg:$0x4] =	wrdreg s15;
	s4 =	sadd.s32 s2, s19  }
0xc: {  	s23 =	sshll.u32 s9, $0x6;
	s20 =	sadd.s32 s8, s5;
	[dreg:$0x6] =	wrdreg s4  }
0xd: {  	s26 =	sshrl.u32 s25, $0x3;
	s22 =	sadd.s32 s2, s21;
	[dreg:$0x7] =	wrdreg s20  }
0xe: {  	s30 =	sshll.u32 s6, $0x6;
	s24 =	sadd.s32 s8, s23;
	[dreg:$0x8] =	wrdreg s22  }
0xf: {  	s29 =	sshrl.u32 s6, $0x3;
	s31 =	sadd.s32 s8, s30;
	[dreg:$0x9] =	wrdreg s24  }
0x10: {  	s5 =	sshll.u32 s25, $0x6;
	s4 =	sadd.s32 s2, s26;
	[dreg:$0xd] =	wrdreg s31  }
0x11: {  	v2 =	vlaneseq.u32;
	s6 =	simm.s32 $0x2;
	s28 =	sadd.s32 s8, s5;
	[dreg:$0xa] =	wrdreg s4  }
0x12: {  	vm0 =	vmmov $0xffff;
	v1 =	vshrl.u32 v2, $0x3;
	s25 =	simm.s32 $0x80;
	s2 =	sadd.s32 s2, s29;
	[dreg:$0xb] =	wrdreg s28  }
0x13: {  	v0 =	vand.u32 $0x7, v2;
	v2 =	vor.u32 $0x8, v2;
	v1 =	vmul.u32 $0x8, v1;
	s5 =	smax.u32 s0, $0x1;
	s4 =	sadd.s32 $0x100, s1;
	[dreg:$0xc] =	wrdreg s2  }
.LBB2_1:
0x14: {  	s15 =	rddreg [dreg:$0x4]  }
0x15: {  	[tilespmem:s3], [sflag:$0x2] =	stream.linear.gather [hbm4b:s15+s3], $0x80, $0x38;
	[tilespmem:$0x10080] =	vst v63  }
0x16: {  	_ =	swait.ge [sflag:s6], $0x80  }
0x17: {  	[sflag:s6] =	ssyncset.done $0x0  }
0x18: {  	[sflag:s6] =	ssyncadd.s32 $0xFFFFFF80  }
0x19: {  	v3 =	vld [tilespmem:$0x0];
	_ =	sdelay $0x4  }
0x1a: {  	v4 =	vshll.u32 v3, $0x2  }
0x1b: {  	v3 =	vand.u32 $0x7, v3;
	v4 =	vand.u32 $0xFFFFFFE0, v4  }
0x1c: {  	v3 =	vor.u32 v3, v4  }
0x1d: {  	v4 =	vperm.xlane v3, v0;
	_ =	sdelay $0x1  }
0x1e: {  	v4 =	vadd.s32 v1, v4;
	_ =	sdelay $0x1  }
0x1f: {  	v3 =	vperm.xlane v3, v2;
	_ =	sdelay $0x1  }
0x20: {  	v3 =	vadd.s32 v1, v3  }
0x21: {  	[tilespmem:s25], [sflag:$0x1] =	stream.indirect_vreg.gather [hbm4b:s1+s3], $0x80, v4, vm0, $0xb8;
	[tilespmem:$0x10080] =	vst v63  }
0x22: {  	s0 =	simm.s32 $0x880  }
0x23: {  	[tilespmem:s0], [sflag:$0x1] =	stream.indirect_vreg.gather [hbm4b:s4+s3], $0x80, v4, vm0, $0xb8;
	[tilespmem:$0x10080] =	vst v63  }
0x24: {  	s7 =	simm.s32 $0x1080  }
0x25: {  	[tilespmem:s7], [sflag:$0x1] =	stream.indirect_vreg.gather [hbm4b:s1+s3], $0x80, v3, vm0, $0xb8;
	[tilespmem:$0x10080] =	vst v63  }
0x26: {  	s8 =	simm.s32 $0x1880  }
0x27: {  	[tilespmem:s8], [sflag:$0x1] =	stream.indirect_vreg.gather [hbm4b:s4+s3], $0x80, v3, vm0, $0xb8;
	[tilespmem:$0x10080] =	vst v63  }
0x28: {  	v3 =	vld [tilespmem:$0x10];
	_ =	sdelay $0x4  }
0x29: {  	v25 =	vshll.u32 v3, $0x2  }
0x2a: {  	v3 =	vand.u32 $0x7, v3;
	v4 =	vand.u32 $0xFFFFFFE0, v25  }
0x2b: {  	v3 =	vor.u32 v3, v4  }
0x2c: {  	v4 =	vperm.xlane v3, v0;
	_ =	sdelay $0x1  }
0x2d: {  	v4 =	vadd.s32 v1, v4;
	_ =	sdelay $0x1  }
0x2e: {  	v3 =	vperm.xlane v3, v2;
	_ =	sdelay $0x1  }
0x2f: {  	s9 =	simm.s32 $0x2080;
	v3 =	vadd.s32 v1, v3  }
0x30: {  	[tilespmem:s9], [sflag:$0x1] =	stream.indirect_vreg.gather [hbm4b:s1+s3], $0x80, v4, vm0, $0xb8;
	[tilespmem:$0x10080] =	vst v63  }
0x31: {  	s10 =	simm.s32 $0x2880  }
0x32: {  	[tilespmem:s10], [sflag:$0x1] =	stream.indirect_vreg.gather [hbm4b:s4+s3], $0x80, v4, vm0, $0xb8;
	[tilespmem:$0x10080] =	vst v63  }
0x33: {  	s11 =	simm.s32 $0x3080  }
0x34: {  	[tilespmem:s11], [sflag:$0x1] =	stream.indirect_vreg.gather [hbm4b:s1+s3], $0x80, v3, vm0, $0xb8;
	[tilespmem:$0x10080] =	vst v63  }
0x35: {  	s12 =	simm.s32 $0x3880  }
0x36: {  	[tilespmem:s12], [sflag:$0x1] =	stream.indirect_vreg.gather [hbm4b:s4+s3], $0x80, v3, vm0, $0xb8;
	[tilespmem:$0x10080] =	vst v63  }
0x37: {  	v3 =	vld [tilespmem:$0x20];
	_ =	sdelay $0x4  }
0x38: {  	v26 =	vshll.u32 v3, $0x2  }
0x39: {  	v3 =	vand.u32 $0x7, v3;
	v4 =	vand.u32 $0xFFFFFFE0, v26  }
0x3a: {  	v3 =	vor.u32 v3, v4  }
0x3b: {  	v4 =	vperm.xlane v3, v0;
	_ =	sdelay $0x1  }
0x3c: {  	v4 =	vadd.s32 v1, v4;
	_ =	sdelay $0x1  }
0x3d: {  	v3 =	vperm.xlane v3, v2;
	_ =	sdelay $0x1  }
0x3e: {  	s13 =	simm.s32 $0x4080;
	v3 =	vadd.s32 v1, v3  }
0x3f: {  	[tilespmem:s13], [sflag:$0x1] =	stream.indirect_vreg.gather [hbm4b:s1+s3], $0x80, v4, vm0, $0xb8;
	[tilespmem:$0x10080] =	vst v63  }
0x40: {  	s15 =	simm.s32 $0x4880  }
0x41: {  	[tilespmem:s15], [sflag:$0x1] =	stream.indirect_vreg.gather [hbm4b:s4+s3], $0x80, v4, vm0, $0xb8;
	[tilespmem:$0x10080] =	vst v63  }
0x42: {  	s16 =	simm.s32 $0x5080  }
0x43: {  	[tilespmem:s16], [sflag:$0x1] =	stream.indirect_vreg.gather [hbm4b:s1+s3], $0x80, v3, vm0, $0xb8;
	[tilespmem:$0x10080] =	vst v63  }
0x44: {  	s17 =	simm.s32 $0x5880  }
0x45: {  	[tilespmem:s17], [sflag:$0x1] =	stream.indirect_vreg.gather [hbm4b:s4+s3], $0x80, v3, vm0, $0xb8;
	[tilespmem:$0x10080] =	vst v63  }
0x46: {  	v3 =	vld [tilespmem:$0x30];
	_ =	sdelay $0x4  }
0x47: {  	v27 =	vshll.u32 v3, $0x2  }
0x48: {  	v3 =	vand.u32 $0x7, v3;
	v4 =	vand.u32 $0xFFFFFFE0, v27  }
0x49: {  	v3 =	vor.u32 v3, v4  }
0x4a: {  	v4 =	vperm.xlane v3, v0;
	_ =	sdelay $0x1  }
0x4b: {  	v4 =	vadd.s32 v1, v4;
	_ =	sdelay $0x1  }
0x4c: {  	v3 =	vperm.xlane v3, v2;
	_ =	sdelay $0x1  }
0x4d: {  	s18 =	simm.s32 $0x6080;
	v3 =	vadd.s32 v1, v3  }
0x4e: {  	[tilespmem:s18], [sflag:$0x1] =	stream.indirect_vreg.gather [hbm4b:s1+s3], $0x80, v4, vm0, $0xb8;
	[tilespmem:$0x10080] =	vst v63  }
0x4f: {  	s19 =	simm.s32 $0x6880  }
0x50: {  	[tilespmem:s19], [sflag:$0x1] =	stream.indirect_vreg.gather [hbm4b:s4+s3], $0x80, v4, vm0, $0xb8;
	[tilespmem:$0x10080] =	vst v63  }
0x51: {  	s20 =	simm.s32 $0x7080  }
0x52: {  	[tilespmem:s20], [sflag:$0x1] =	stream.indirect_vreg.gather [hbm4b:s1+s3], $0x80, v3, vm0, $0xb8;
	[tilespmem:$0x10080] =	vst v63  }
0x53: {  	s21 =	simm.s32 $0x7880  }
0x54: {  	[tilespmem:s21], [sflag:$0x1] =	stream.indirect_vreg.gather [hbm4b:s4+s3], $0x80, v3, vm0, $0xb8;
	[tilespmem:$0x10080] =	vst v63  }
0x55: {  	v3 =	vld [tilespmem:$0x40];
	_ =	sdelay $0x4  }
0x56: {  	v28 =	vshll.u32 v3, $0x2  }
0x57: {  	v3 =	vand.u32 $0x7, v3;
	v4 =	vand.u32 $0xFFFFFFE0, v28  }
0x58: {  	v3 =	vor.u32 v3, v4  }
0x59: {  	v4 =	vperm.xlane v3, v0;
	_ =	sdelay $0x1  }
0x5a: {  	v4 =	vadd.s32 v1, v4;
	_ =	sdelay $0x1  }
0x5b: {  	v3 =	vperm.xlane v3, v2;
	_ =	sdelay $0x1  }
0x5c: {  	s22 =	simm.s32 $0x8080;
	v3 =	vadd.s32 v1, v3  }
0x5d: {  	[tilespmem:s22], [sflag:$0x1] =	stream.indirect_vreg.gather [hbm4b:s1+s3], $0x80, v4, vm0, $0xb8;
	[tilespmem:$0x10080] =	vst v63  }
0x5e: {  	s23 =	simm.s32 $0x8880  }
0x5f: {  	[tilespmem:s23], [sflag:$0x1] =	stream.indirect_vreg.gather [hbm4b:s4+s3], $0x80, v4, vm0, $0xb8;
	[tilespmem:$0x10080] =	vst v63  }
0x60: {  	s24 =	simm.s32 $0x9080  }
0x61: {  	[tilespmem:s24], [sflag:$0x1] =	stream.indirect_vreg.gather [hbm4b:s1+s3], $0x80, v3, vm0, $0xb8;
	[tilespmem:$0x10080] =	vst v63  }
0x62: {  	s26 =	simm.s32 $0x9880  }
0x63: {  	[tilespmem:s26], [sflag:$0x1] =	stream.indirect_vreg.gather [hbm4b:s4+s3], $0x80, v3, vm0, $0xb8;
	[tilespmem:$0x10080] =	vst v63  }
0x64: {  	v3 =	vld [tilespmem:$0x50];
	_ =	sdelay $0x4  }
0x65: {  	v29 =	vshll.u32 v3, $0x2  }
0x66: {  	v3 =	vand.u32 $0x7, v3;
	v4 =	vand.u32 $0xFFFFFFE0, v29  }
0x67: {  	v3 =	vor.u32 v3, v4  }
0x68: {  	v4 =	vperm.xlane v3, v0;
	_ =	sdelay $0x1  }
0x69: {  	v4 =	vadd.s32 v1, v4;
	_ =	sdelay $0x1  }
0x6a: {  	v3 =	vperm.xlane v3, v2;
	_ =	sdelay $0x1  }
0x6b: {  	s28 =	simm.s32 $0xA080;
	v3 =	vadd.s32 v1, v3  }
0x6c: {  	[tilespmem:s28], [sflag:$0x1] =	stream.indirect_vreg.gather [hbm4b:s1+s3], $0x80, v4, vm0, $0xb8;
	[tilespmem:$0x10080] =	vst v63  }
0x6d: {  	s29 =	simm.s32 $0xA880  }
0x6e: {  	[tilespmem:s29], [sflag:$0x1] =	stream.indirect_vreg.gather [hbm4b:s4+s3], $0x80, v4, vm0, $0xb8;
	[tilespmem:$0x10080] =	vst v63  }
0x6f: {  	s30 =	simm.s32 $0xB080  }
0x70: {  	[tilespmem:s30], [sflag:$0x1] =	stream.indirect_vreg.gather [hbm4b:s1+s3], $0x80, v3, vm0, $0xb8;
	[tilespmem:$0x10080] =	vst v63  }
0x71: {  	s31 =	simm.s32 $0xB880  }
0x72: {  	[tilespmem:s31], [sflag:$0x1] =	stream.indirect_vreg.gather [hbm4b:s4+s3], $0x80, v3, vm0, $0xb8;
	[tilespmem:$0x10080] =	vst v63  }
0x73: {  	v3 =	vld [tilespmem:$0x60];
	_ =	sdelay $0x4  }
0x74: {  	v30 =	vshll.u32 v3, $0x2  }
0x75: {  	v3 =	vand.u32 $0x7, v3;
	v4 =	vand.u32 $0xFFFFFFE0, v30  }
0x76: {  	v3 =	vor.u32 v3, v4  }
0x77: {  	v4 =	vperm.xlane v3, v0;
	_ =	sdelay $0x1  }
0x78: {  	v4 =	vadd.s32 v1, v4;
	_ =	sdelay $0x1  }
0x79: {  	v3 =	vperm.xlane v3, v2;
	_ =	sdelay $0x1  }
0x7a: {  	s0 =	simm.s32 $0xC080;
	v3 =	vadd.s32 v1, v3  }
0x7b: {  	[tilespmem:s0], [sflag:$0x1] =	stream.indirect_vreg.gather [hbm4b:s1+s3], $0x80, v4, vm0, $0xb8;
	[tilespmem:$0x10080] =	vst v63  }
0x7c: {  	s13 =	simm.s32 $0xC880  }
0x7d: {  	[tilespmem:s13], [sflag:$0x1] =	stream.indirect_vreg.gather [hbm4b:s4+s3], $0x80, v4, vm0, $0xb8;
	[tilespmem:$0x10080] =	vst v63  }
0x7e: {  	s16 =	simm.s32 $0xD080  }
0x7f: {  	[tilespmem:s16], [sflag:$0x1] =	stream.indirect_vreg.gather [hbm4b:s1+s3], $0x80, v3, vm0, $0xb8;
	[tilespmem:$0x10080] =	vst v63  }
0x80: {  	s17 =	simm.s32 $0xD880  }
0x81: {  	[tilespmem:s17], [sflag:$0x1] =	stream.indirect_vreg.gather [hbm4b:s4+s3], $0x80, v3, vm0, $0xb8;
	[tilespmem:$0x10080] =	vst v63  }
0x82: {  	v3 =	vld [tilespmem:$0x70];
	_ =	sdelay $0x4  }
0x83: {  	v31 =	vshll.u32 v3, $0x2  }
0x84: {  	v3 =	vand.u32 $0x7, v3;
	v4 =	vand.u32 $0xFFFFFFE0, v31  }
0x85: {  	v3 =	vor.u32 v3, v4  }
0x86: {  	v4 =	vperm.xlane v3, v0;
	_ =	sdelay $0x1  }
0x87: {  	v4 =	vadd.s32 v1, v4;
	_ =	sdelay $0x1  }
0x88: {  	v3 =	vperm.xlane v3, v2;
	_ =	sdelay $0x1  }
0x89: {  	s18 =	simm.s32 $0xE080;
	v3 =	vadd.s32 v1, v3  }
0x8a: {  	[tilespmem:s18], [sflag:$0x1] =	stream.indirect_vreg.gather [hbm4b:s1+s3], $0x80, v4, vm0, $0xb8;
	[tilespmem:$0x10080] =	vst v63  }
0x8b: {  	s19 =	simm.s32 $0xE880  }
0x8c: {  	[tilespmem:s19], [sflag:$0x1] =	stream.indirect_vreg.gather [hbm4b:s4+s3], $0x80, v4, vm0, $0xb8;
	[tilespmem:$0x10080] =	vst v63  }
0x8d: {  	s20 =	simm.s32 $0xF080  }
0x8e: {  	[tilespmem:s20], [sflag:$0x1] =	stream.indirect_vreg.gather [hbm4b:s1+s3], $0x80, v3, vm0, $0xb8;
	[tilespmem:$0x10080] =	vst v63  }
0x8f: {  	s21 =	simm.s32 $0xF880  }
0x90: {  	[tilespmem:s21], [sflag:$0x1] =	stream.indirect_vreg.gather [hbm4b:s4+s3], $0x80, v3, vm0, $0xb8;
	[tilespmem:$0x10080] =	vst v63  }
0x91: {  	_ =	swait.ge [sflag:s14], $0x10000  }
0x92: {  	[sflag:s14] =	ssyncset.done $0x0  }
0x93: {  	s24 =	rddreg [dreg:$0x5];
	[sflag:s14] =	ssyncadd.s32 $0xFFFF0000  }
0x94: {  	[hbm4b:s24+s3] =	stream.linear.scatter [tilespmem:s25], [sflag:$0x2], $0x10000, $0x38;
	[tilespmem:$0x10080] =	vst v63  }
0x95: {  	_ =	swait.ge [sflag:s6], $0x10000  }
0x96: {  	[sflag:s6] =	ssyncset.done $0x0  }
0x97: {  	s29 =	rddreg [dreg:$0x6];
	[sflag:s6] =	ssyncadd.s32 $0xFFFF0000  }
0x98: {  	[tilespmem:s3], [sflag:$0x2] =	stream.linear.gather [hbm4b:s29+s3], $0x80, $0x38;
	[tilespmem:$0x10080] =	vst v63  }
0x99: {  	_ =	swait.ge [sflag:s6], $0x80  }
0x9a: {  	[sflag:s6] =	ssyncset.done $0x0  }
0x9b: {  	[sflag:s6] =	ssyncadd.s32 $0xFFFFFF80  }
0x9c: {  	v3 =	vld [tilespmem:$0x0];
	_ =	sdelay $0x4  }
0x9d: {  	v32 =	vshll.u32 v3, $0x2  }
0x9e: {  	v3 =	vand.u32 $0x7, v3;
	v4 =	vand.u32 $0xFFFFFFE0, v32  }
0x9f: {  	v3 =	vor.u32 v3, v4  }
0xa0: {  	v4 =	vperm.xlane v3, v0;
	_ =	sdelay $0x1  }
0xa1: {  	v4 =	vadd.s32 v1, v4;
	_ =	sdelay $0x1  }
0xa2: {  	v3 =	vperm.xlane v3, v2;
	_ =	sdelay $0x1  }
0xa3: {  	v3 =	vadd.s32 v1, v3  }
0xa4: {  	[tilespmem:s25], [sflag:$0x1] =	stream.indirect_vreg.gather [hbm4b:s1+s3], $0x80, v4, vm0, $0xb8;
	[tilespmem:$0x10080] =	vst v63  }
0xa5: {  	s2 =	simm.s32 $0x880  }
0xa6: {  	[tilespmem:s2], [sflag:$0x1] =	stream.indirect_vreg.gather [hbm4b:s4+s3], $0x80, v4, vm0, $0xb8;
	[tilespmem:$0x10080] =	vst v63  }
0xa7: {  	s7 =	simm.s32 $0x1080  }
0xa8: {  	[tilespmem:s7], [sflag:$0x1] =	stream.indirect_vreg.gather [hbm4b:s1+s3], $0x80, v3, vm0, $0xb8;
	[tilespmem:$0x10080] =	vst v63  }
0xa9: {  	s16 =	simm.s32 $0x1880  }
0xaa: {  	[tilespmem:s16], [sflag:$0x1] =	stream.indirect_vreg.gather [hbm4b:s4+s3], $0x80, v3, vm0, $0xb8;
	[tilespmem:$0x10080] =	vst v63  }
0xab: {  	v3 =	vld [tilespmem:$0x10];
	_ =	sdelay $0x4  }
0xac: {  	v33 =	vshll.u32 v3, $0x2  }
0xad: {  	v3 =	vand.u32 $0x7, v3;
	v4 =	vand.u32 $0xFFFFFFE0, v33  }
0xae: {  	v3 =	vor.u32 v3, v4  }
0xaf: {  	v4 =	vperm.xlane v3, v0;
	_ =	sdelay $0x1  }
0xb0: {  	v4 =	vadd.s32 v1, v4;
	_ =	sdelay $0x1  }
0xb1: {  	v3 =	vperm.xlane v3, v2;
	_ =	sdelay $0x1  }
0xb2: {  	s8 =	simm.s32 $0x2080;
	v3 =	vadd.s32 v1, v3  }
0xb3: {  	[tilespmem:s8], [sflag:$0x1] =	stream.indirect_vreg.gather [hbm4b:s1+s3], $0x80, v4, vm0, $0xb8;
	[tilespmem:$0x10080] =	vst v63  }
0xb4: {  	s9 =	simm.s32 $0x2880  }
0xb5: {  	[tilespmem:s9], [sflag:$0x1] =	stream.indirect_vreg.gather [hbm4b:s4+s3], $0x80, v4, vm0, $0xb8;
	[tilespmem:$0x10080] =	vst v63  }
0xb6: {  	s10 =	simm.s32 $0x3080  }
0xb7: {  	[tilespmem:s10], [sflag:$0x1] =	stream.indirect_vreg.gather [hbm4b:s1+s3], $0x80, v3, vm0, $0xb8;
	[tilespmem:$0x10080] =	vst v63  }
0xb8: {  	s12 =	simm.s32 $0x3880  }
0xb9: {  	[tilespmem:s12], [sflag:$0x1] =	stream.indirect_vreg.gather [hbm4b:s4+s3], $0x80, v3, vm0, $0xb8;
	[tilespmem:$0x10080] =	vst v63  }
0xba: {  	v3 =	vld [tilespmem:$0x20];
	_ =	sdelay $0x4  }
0xbb: {  	v34 =	vshll.u32 v3, $0x2  }
0xbc: {  	v3 =	vand.u32 $0x7, v3;
	v4 =	vand.u32 $0xFFFFFFE0, v34  }
0xbd: {  	v3 =	vor.u32 v3, v4  }
0xbe: {  	v4 =	vperm.xlane v3, v0;
	_ =	sdelay $0x1  }
0xbf: {  	v4 =	vadd.s32 v1, v4;
	_ =	sdelay $0x1  }
0xc0: {  	v3 =	vperm.xlane v3, v2;
	_ =	sdelay $0x1  }
0xc1: {  	s11 =	simm.s32 $0x4080;
	v3 =	vadd.s32 v1, v3  }
0xc2: {  	[tilespmem:s11], [sflag:$0x1] =	stream.indirect_vreg.gather [hbm4b:s1+s3], $0x80, v4, vm0, $0xb8;
	[tilespmem:$0x10080] =	vst v63  }
0xc3: {  	s24 =	simm.s32 $0x4880  }
0xc4: {  	[tilespmem:s24], [sflag:$0x1] =	stream.indirect_vreg.gather [hbm4b:s4+s3], $0x80, v4, vm0, $0xb8;
	[tilespmem:$0x10080] =	vst v63  }
0xc5: {  	s12 =	simm.s32 $0x5080  }
0xc6: {  	[tilespmem:s12], [sflag:$0x1] =	stream.indirect_vreg.gather [hbm4b:s1+s3], $0x80, v3, vm0, $0xb8;
	[tilespmem:$0x10080] =	vst v63  }
0xc7: {  	s13 =	simm.s32 $0x5880  }
0xc8: {  	[tilespmem:s13], [sflag:$0x1] =	stream.indirect_vreg.gather [hbm4b:s4+s3], $0x80, v3, vm0, $0xb8;
	[tilespmem:$0x10080] =	vst v63  }
0xc9: {  	v3 =	vld [tilespmem:$0x30];
	_ =	sdelay $0x4  }
0xca: {  	v35 =	vshll.u32 v3, $0x2  }
0xcb: {  	v3 =	vand.u32 $0x7, v3;
	v4 =	vand.u32 $0xFFFFFFE0, v35  }
0xcc: {  	v3 =	vor.u32 v3, v4  }
0xcd: {  	v4 =	vperm.xlane v3, v0;
	_ =	sdelay $0x1  }
0xce: {  	v4 =	vadd.s32 v1, v4;
	_ =	sdelay $0x1  }
0xcf: {  	v3 =	vperm.xlane v3, v2;
	_ =	sdelay $0x1  }
0xd0: {  	s17 =	simm.s32 $0x6080;
	v3 =	vadd.s32 v1, v3  }
0xd1: {  	[tilespmem:s17], [sflag:$0x1] =	stream.indirect_vreg.gather [hbm4b:s1+s3], $0x80, v4, vm0, $0xb8;
	[tilespmem:$0x10080] =	vst v63  }
0xd2: {  	s18 =	simm.s32 $0x6880  }
0xd3: {  	[tilespmem:s18], [sflag:$0x1] =	stream.indirect_vreg.gather [hbm4b:s4+s3], $0x80, v4, vm0, $0xb8;
	[tilespmem:$0x10080] =	vst v63  }
0xd4: {  	s19 =	simm.s32 $0x7080  }
0xd5: {  	[tilespmem:s19], [sflag:$0x1] =	stream.indirect_vreg.gather [hbm4b:s1+s3], $0x80, v3, vm0, $0xb8;
	[tilespmem:$0x10080] =	vst v63  }
0xd6: {  	s20 =	simm.s32 $0x7880  }
0xd7: {  	[tilespmem:s20], [sflag:$0x1] =	stream.indirect_vreg.gather [hbm4b:s4+s3], $0x80, v3, vm0, $0xb8;
	[tilespmem:$0x10080] =	vst v63  }
0xd8: {  	v3 =	vld [tilespmem:$0x40];
	_ =	sdelay $0x4  }
0xd9: {  	v36 =	vshll.u32 v3, $0x2  }
0xda: {  	v3 =	vand.u32 $0x7, v3;
	v4 =	vand.u32 $0xFFFFFFE0, v36  }
0xdb: {  	v3 =	vor.u32 v3, v4  }
0xdc: {  	v4 =	vperm.xlane v3, v0;
	_ =	sdelay $0x1  }
0xdd: {  	v4 =	vadd.s32 v1, v4;
	_ =	sdelay $0x1  }
0xde: {  	v3 =	vperm.xlane v3, v2;
	_ =	sdelay $0x1  }
0xdf: {  	s2 =	simm.s32 $0x8080;
	v3 =	vadd.s32 v1, v3  }
0xe0: {  	[tilespmem:s2], [sflag:$0x1] =	stream.indirect_vreg.gather [hbm4b:s1+s3], $0x80, v4, vm0, $0xb8;
	[tilespmem:$0x10080] =	vst v63  }
0xe1: {  	s0 =	simm.s32 $0x8880  }
0xe2: {  	[tilespmem:s0], [sflag:$0x1] =	stream.indirect_vreg.gather [hbm4b:s4+s3], $0x80, v4, vm0, $0xb8;
	[tilespmem:$0x10080] =	vst v63  }
0xe3: {  	s7 =	simm.s32 $0x9080  }
0xe4: {  	[tilespmem:s7], [sflag:$0x1] =	stream.indirect_vreg.gather [hbm4b:s1+s3], $0x80, v3, vm0, $0xb8;
	[tilespmem:$0x10080] =	vst v63  }
0xe5: {  	s11 =	simm.s32 $0x9880  }
0xe6: {  	[tilespmem:s11], [sflag:$0x1] =	stream.indirect_vreg.gather [hbm4b:s4+s3], $0x80, v3, vm0, $0xb8;
	[tilespmem:$0x10080] =	vst v63  }
0xe7: {  	v3 =	vld [tilespmem:$0x50];
	_ =	sdelay $0x4  }
0xe8: {  	v37 =	vshll.u32 v3, $0x2  }
0xe9: {  	v3 =	vand.u32 $0x7, v3;
	v4 =	vand.u32 $0xFFFFFFE0, v37  }
0xea: {  	v3 =	vor.u32 v3, v4  }
0xeb: {  	v4 =	vperm.xlane v3, v0;
	_ =	sdelay $0x1  }
0xec: {  	v4 =	vadd.s32 v1, v4;
	_ =	sdelay $0x1  }
0xed: {  	v3 =	vperm.xlane v3, v2;
	_ =	sdelay $0x1  }
0xee: {  	s8 =	simm.s32 $0xA080;
	v3 =	vadd.s32 v1, v3  }
0xef: {  	[tilespmem:s8], [sflag:$0x1] =	stream.indirect_vreg.gather [hbm4b:s1+s3], $0x80, v4, vm0, $0xb8;
	[tilespmem:$0x10080] =	vst v63  }
0xf0: {  	s9 =	simm.s32 $0xA880  }
0xf1: {  	[tilespmem:s9], [sflag:$0x1] =	stream.indirect_vreg.gather [hbm4b:s4+s3], $0x80, v4, vm0, $0xb8;
	[tilespmem:$0x10080] =	vst v63  }
0xf2: {  	s10 =	simm.s32 $0xB080  }
0xf3: {  	[tilespmem:s10], [sflag:$0x1] =	stream.indirect_vreg.gather [hbm4b:s1+s3], $0x80, v3, vm0, $0xb8;
	[tilespmem:$0x10080] =	vst v63  }
0xf4: {  	s23 =	simm.s32 $0xB880  }
0xf5: {  	[tilespmem:s23], [sflag:$0x1] =	stream.indirect_vreg.gather [hbm4b:s4+s3], $0x80, v3, vm0, $0xb8;
	[tilespmem:$0x10080] =	vst v63  }
0xf6: {  	v3 =	vld [tilespmem:$0x60];
	_ =	sdelay $0x4  }
0xf7: {  	v38 =	vshll.u32 v3, $0x2  }
0xf8: {  	v3 =	vand.u32 $0x7, v3;
	v4 =	vand.u32 $0xFFFFFFE0, v38  }
0xf9: {  	v3 =	vor.u32 v3, v4  }
0xfa: {  	v4 =	vperm.xlane v3, v0;
	_ =	sdelay $0x1  }
0xfb: {  	v4 =	vadd.s32 v1, v4;
	_ =	sdelay $0x1  }
0xfc: {  	v3 =	vperm.xlane v3, v2;
	_ =	sdelay $0x1  }
0xfd: {  	s30 =	simm.s32 $0xC080;
	v3 =	vadd.s32 v1, v3  }
0xfe: {  	[tilespmem:s30], [sflag:$0x1] =	stream.indirect_vreg.gather [hbm4b:s1+s3], $0x80, v4, vm0, $0xb8;
	[tilespmem:$0x10080] =	vst v63  }
0xff: {  	s30 =	simm.s32 $0xC880  }
0x100: {  	[tilespmem:s30], [sflag:$0x1] =	stream.indirect_vreg.gather [hbm4b:s4+s3], $0x80, v4, vm0, $0xb8;
	[tilespmem:$0x10080] =	vst v63  }
0x101: {  	s23 =	simm.s32 $0xD080  }
0x102: {  	[tilespmem:s23], [sflag:$0x1] =	stream.indirect_vreg.gather [hbm4b:s1+s3], $0x80, v3, vm0, $0xb8;
	[tilespmem:$0x10080] =	vst v63  }
0x103: {  	s22 =	simm.s32 $0xD880  }
0x104: {  	[tilespmem:s22], [sflag:$0x1] =	stream.indirect_vreg.gather [hbm4b:s4+s3], $0x80, v3, vm0, $0xb8;
	[tilespmem:$0x10080] =	vst v63  }
0x105: {  	v3 =	vld [tilespmem:$0x70];
	_ =	sdelay $0x4  }
0x106: {  	v39 =	vshll.u32 v3, $0x2  }
0x107: {  	v3 =	vand.u32 $0x7, v3;
	v4 =	vand.u32 $0xFFFFFFE0, v39  }
0x108: {  	v3 =	vor.u32 v3, v4  }
0x109: {  	v4 =	vperm.xlane v3, v0;
	_ =	sdelay $0x1  }
0x10a: {  	v4 =	vadd.s32 v1, v4;
	_ =	sdelay $0x1  }
0x10b: {  	v3 =	vperm.xlane v3, v2;
	_ =	sdelay $0x1  }
0x10c: {  	s26 =	simm.s32 $0xE080;
	v3 =	vadd.s32 v1, v3  }
0x10d: {  	[tilespmem:s26], [sflag:$0x1] =	stream.indirect_vreg.gather [hbm4b:s1+s3], $0x80, v4, vm0, $0xb8;
	[tilespmem:$0x10080] =	vst v63  }
0x10e: {  	s28 =	simm.s32 $0xE880  }
0x10f: {  	[tilespmem:s28], [sflag:$0x1] =	stream.indirect_vreg.gather [hbm4b:s4+s3], $0x80, v4, vm0, $0xb8;
	[tilespmem:$0x10080] =	vst v63  }
0x110: {  	s28 =	simm.s32 $0xF080  }
0x111: {  	[tilespmem:s28], [sflag:$0x1] =	stream.indirect_vreg.gather [hbm4b:s1+s3], $0x80, v3, vm0, $0xb8;
	[tilespmem:$0x10080] =	vst v63  }
0x112: {  	s21 =	simm.s32 $0xF880  }
0x113: {  	[tilespmem:s21], [sflag:$0x1] =	stream.indirect_vreg.gather [hbm4b:s4+s3], $0x80, v3, vm0, $0xb8;
	[tilespmem:$0x10080] =	vst v63  }
0x114: {  	_ =	swait.ge [sflag:s14], $0x10000  }
0x115: {  	[sflag:s14] =	ssyncset.done $0x0  }
0x116: {  	s15 =	rddreg [dreg:$0x7];
	[sflag:s14] =	ssyncadd.s32 $0xFFFF0000  }
0x117: {  	[hbm4b:s15+s3] =	stream.linear.scatter [tilespmem:s25], [sflag:$0x2], $0x10000, $0x38;
	[tilespmem:$0x10080] =	vst v63  }
0x118: {  	_ =	swait.ge [sflag:s6], $0x10000  }
0x119: {  	[sflag:s6] =	ssyncset.done $0x0  }
0x11a: {  	s15 =	rddreg [dreg:$0x8];
	[sflag:s6] =	ssyncadd.s32 $0xFFFF0000  }
0x11b: {  	[tilespmem:s3], [sflag:$0x2] =	stream.linear.gather [hbm4b:s15+s3], $0x80, $0x38;
	[tilespmem:$0x10080] =	vst v63  }
0x11c: {  	_ =	swait.ge [sflag:s6], $0x80  }
0x11d: {  	[sflag:s6] =	ssyncset.done $0x0  }
0x11e: {  	[sflag:s6] =	ssyncadd.s32 $0xFFFFFF80  }
0x11f: {  	v3 =	vld [tilespmem:$0x0];
	_ =	sdelay $0x4  }
0x120: {  	v40 =	vshll.u32 v3, $0x2  }
0x121: {  	v3 =	vand.u32 $0x7, v3;
	v4 =	vand.u32 $0xFFFFFFE0, v40  }
0x122: {  	v3 =	vor.u32 v3, v4  }
0x123: {  	v4 =	vperm.xlane v3, v0;
	_ =	sdelay $0x1  }
0x124: {  	v4 =	vadd.s32 v1, v4;
	_ =	sdelay $0x1  }
0x125: {  	v3 =	vperm.xlane v3, v2;
	_ =	sdelay $0x1  }
0x126: {  	v3 =	vadd.s32 v1, v3  }
0x127: {  	[tilespmem:s25], [sflag:$0x1] =	stream.indirect_vreg.gather [hbm4b:s1+s3], $0x80, v4, vm0, $0xb8;
	[tilespmem:$0x10080] =	vst v63  }
0x128: {  	s31 =	simm.s32 $0x880  }
0x129: {  	[tilespmem:s31], [sflag:$0x1] =	stream.indirect_vreg.gather [hbm4b:s4+s3], $0x80, v4, vm0, $0xb8;
	[tilespmem:$0x10080] =	vst v63  }
0x12a: {  	s31 =	simm.s32 $0x1080  }
0x12b: {  	[tilespmem:s31], [sflag:$0x1] =	stream.indirect_vreg.gather [hbm4b:s1+s3], $0x80, v3, vm0, $0xb8;
	[tilespmem:$0x10080] =	vst v63  }
0x12c: {  	_ = 	snop  }
0x12d: {  	[tilespmem:s16], [sflag:$0x1] =	stream.indirect_vreg.gather [hbm4b:s4+s3], $0x80, v3, vm0, $0xb8;
	[tilespmem:$0x10080] =	vst v63  }
0x12e: {  	v3 =	vld [tilespmem:$0x10];
	_ =	sdelay $0x4  }
0x12f: {  	v41 =	vshll.u32 v3, $0x2  }
0x130: {  	v3 =	vand.u32 $0x7, v3;
	v4 =	vand.u32 $0xFFFFFFE0, v41  }
0x131: {  	v3 =	vor.u32 v3, v4  }
0x132: {  	v4 =	vperm.xlane v3, v0;
	_ =	sdelay $0x1  }
0x133: {  	v4 =	vadd.s32 v1, v4;
	_ =	sdelay $0x1  }
0x134: {  	v3 =	vperm.xlane v3, v2;
	_ =	sdelay $0x1  }
0x135: {  	s31 =	simm.s32 $0x2080;
	v3 =	vadd.s32 v1, v3  }
0x136: {  	[tilespmem:s31], [sflag:$0x1] =	stream.indirect_vreg.gather [hbm4b:s1+s3], $0x80, v4, vm0, $0xb8;
	[tilespmem:$0x10080] =	vst v63  }
0x137: {  	s31 =	simm.s32 $0x2880  }
0x138: {  	[tilespmem:s31], [sflag:$0x1] =	stream.indirect_vreg.gather [hbm4b:s4+s3], $0x80, v4, vm0, $0xb8;
	[tilespmem:$0x10080] =	vst v63  }
0x139: {  	s31 =	simm.s32 $0x3080  }
0x13a: {  	[tilespmem:s31], [sflag:$0x1] =	stream.indirect_vreg.gather [hbm4b:s1+s3], $0x80, v3, vm0, $0xb8;
	[tilespmem:$0x10080] =	vst v63  }
0x13b: {  	s31 =	simm.s32 $0x3880  }
0x13c: {  	[tilespmem:s31], [sflag:$0x1] =	stream.indirect_vreg.gather [hbm4b:s4+s3], $0x80, v3, vm0, $0xb8;
	[tilespmem:$0x10080] =	vst v63  }
0x13d: {  	v3 =	vld [tilespmem:$0x20];
	_ =	sdelay $0x4  }
0x13e: {  	v42 =	vshll.u32 v3, $0x2  }
0x13f: {  	v3 =	vand.u32 $0x7, v3;
	v4 =	vand.u32 $0xFFFFFFE0, v42  }
0x140: {  	v3 =	vor.u32 v3, v4  }
0x141: {  	v4 =	vperm.xlane v3, v0;
	_ =	sdelay $0x1  }
0x142: {  	v4 =	vadd.s32 v1, v4;
	_ =	sdelay $0x1  }
0x143: {  	v3 =	vperm.xlane v3, v2;
	_ =	sdelay $0x1  }
0x144: {  	s31 =	simm.s32 $0x4080;
	v3 =	vadd.s32 v1, v3  }
0x145: {  	[tilespmem:s31], [sflag:$0x1] =	stream.indirect_vreg.gather [hbm4b:s1+s3], $0x80, v4, vm0, $0xb8;
	[tilespmem:$0x10080] =	vst v63  }
0x146: {  	_ = 	snop  }
0x147: {  	[tilespmem:s24], [sflag:$0x1] =	stream.indirect_vreg.gather [hbm4b:s4+s3], $0x80, v4, vm0, $0xb8;
	[tilespmem:$0x10080] =	vst v63  }
0x148: {  	_ = 	snop  }
0x149: {  	[tilespmem:s12], [sflag:$0x1] =	stream.indirect_vreg.gather [hbm4b:s1+s3], $0x80, v3, vm0, $0xb8;
	[tilespmem:$0x10080] =	vst v63  }
0x14a: {  	_ = 	snop  }
0x14b: {  	[tilespmem:s13], [sflag:$0x1] =	stream.indirect_vreg.gather [hbm4b:s4+s3], $0x80, v3, vm0, $0xb8;
	[tilespmem:$0x10080] =	vst v63  }
0x14c: {  	v3 =	vld [tilespmem:$0x30];
	_ =	sdelay $0x4  }
0x14d: {  	v43 =	vshll.u32 v3, $0x2  }
0x14e: {  	v3 =	vand.u32 $0x7, v3;
	v4 =	vand.u32 $0xFFFFFFE0, v43  }
0x14f: {  	v3 =	vor.u32 v3, v4  }
0x150: {  	v4 =	vperm.xlane v3, v0;
	_ =	sdelay $0x1  }
0x151: {  	v4 =	vadd.s32 v1, v4;
	_ =	sdelay $0x1  }
0x152: {  	v3 =	vperm.xlane v3, v2;
	_ =	sdelay $0x1  }
0x153: {  	v3 =	vadd.s32 v1, v3  }
0x154: {  	[tilespmem:s17], [sflag:$0x1] =	stream.indirect_vreg.gather [hbm4b:s1+s3], $0x80, v4, vm0, $0xb8;
	[tilespmem:$0x10080] =	vst v63  }
0x155: {  	_ = 	snop  }
0x156: {  	[tilespmem:s18], [sflag:$0x1] =	stream.indirect_vreg.gather [hbm4b:s4+s3], $0x80, v4, vm0, $0xb8;
	[tilespmem:$0x10080] =	vst v63  }
0x157: {  	_ = 	snop  }
0x158: {  	[tilespmem:s19], [sflag:$0x1] =	stream.indirect_vreg.gather [hbm4b:s1+s3], $0x80, v3, vm0, $0xb8;
	[tilespmem:$0x10080] =	vst v63  }
0x159: {  	_ = 	snop  }
0x15a: {  	[tilespmem:s20], [sflag:$0x1] =	stream.indirect_vreg.gather [hbm4b:s4+s3], $0x80, v3, vm0, $0xb8;
	[tilespmem:$0x10080] =	vst v63  }
0x15b: {  	v3 =	vld [tilespmem:$0x40];
	_ =	sdelay $0x4  }
0x15c: {  	v44 =	vshll.u32 v3, $0x2  }
0x15d: {  	v3 =	vand.u32 $0x7, v3;
	v4 =	vand.u32 $0xFFFFFFE0, v44  }
0x15e: {  	v3 =	vor.u32 v3, v4  }
0x15f: {  	v4 =	vperm.xlane v3, v0;
	_ =	sdelay $0x1  }
0x160: {  	v4 =	vadd.s32 v1, v4;
	_ =	sdelay $0x1  }
0x161: {  	v3 =	vperm.xlane v3, v2;
	_ =	sdelay $0x1  }
0x162: {  	v3 =	vadd.s32 v1, v3  }
0x163: {  	[tilespmem:s2], [sflag:$0x1] =	stream.indirect_vreg.gather [hbm4b:s1+s3], $0x80, v4, vm0, $0xb8;
	[tilespmem:$0x10080] =	vst v63  }
0x164: {  	_ = 	snop  }
0x165: {  	[tilespmem:s0], [sflag:$0x1] =	stream.indirect_vreg.gather [hbm4b:s4+s3], $0x80, v4, vm0, $0xb8;
	[tilespmem:$0x10080] =	vst v63  }
0x166: {  	_ = 	snop  }
0x167: {  	[tilespmem:s7], [sflag:$0x1] =	stream.indirect_vreg.gather [hbm4b:s1+s3], $0x80, v3, vm0, $0xb8;
	[tilespmem:$0x10080] =	vst v63  }
0x168: {  	_ = 	snop  }
0x169: {  	[tilespmem:s11], [sflag:$0x1] =	stream.indirect_vreg.gather [hbm4b:s4+s3], $0x80, v3, vm0, $0xb8;
	[tilespmem:$0x10080] =	vst v63  }
0x16a: {  	v3 =	vld [tilespmem:$0x50];
	_ =	sdelay $0x4  }
0x16b: {  	v45 =	vshll.u32 v3, $0x2  }
0x16c: {  	v3 =	vand.u32 $0x7, v3;
	v4 =	vand.u32 $0xFFFFFFE0, v45  }
0x16d: {  	v3 =	vor.u32 v3, v4  }
0x16e: {  	v4 =	vperm.xlane v3, v0;
	_ =	sdelay $0x1  }
0x16f: {  	v4 =	vadd.s32 v1, v4;
	_ =	sdelay $0x1  }
0x170: {  	v3 =	vperm.xlane v3, v2;
	_ =	sdelay $0x1  }
0x171: {  	v3 =	vadd.s32 v1, v3  }
0x172: {  	[tilespmem:s8], [sflag:$0x1] =	stream.indirect_vreg.gather [hbm4b:s1+s3], $0x80, v4, vm0, $0xb8;
	[tilespmem:$0x10080] =	vst v63  }
0x173: {  	_ = 	snop  }
0x174: {  	[tilespmem:s9], [sflag:$0x1] =	stream.indirect_vreg.gather [hbm4b:s4+s3], $0x80, v4, vm0, $0xb8;
	[tilespmem:$0x10080] =	vst v63  }
0x175: {  	_ = 	snop  }
0x176: {  	[tilespmem:s10], [sflag:$0x1] =	stream.indirect_vreg.gather [hbm4b:s1+s3], $0x80, v3, vm0, $0xb8;
	[tilespmem:$0x10080] =	vst v63  }
0x177: {  	s15 =	simm.s32 $0xB880  }
0x178: {  	[tilespmem:s15], [sflag:$0x1] =	stream.indirect_vreg.gather [hbm4b:s4+s3], $0x80, v3, vm0, $0xb8;
	[tilespmem:$0x10080] =	vst v63  }
0x179: {  	v3 =	vld [tilespmem:$0x60];
	_ =	sdelay $0x4  }
0x17a: {  	v46 =	vshll.u32 v3, $0x2  }
0x17b: {  	v3 =	vand.u32 $0x7, v3;
	v4 =	vand.u32 $0xFFFFFFE0, v46  }
0x17c: {  	v3 =	vor.u32 v3, v4  }
0x17d: {  	v4 =	vperm.xlane v3, v0;
	_ =	sdelay $0x1  }
0x17e: {  	v4 =	vadd.s32 v1, v4;
	_ =	sdelay $0x1  }
0x17f: {  	v3 =	vperm.xlane v3, v2;
	_ =	sdelay $0x1  }
0x180: {  	s29 =	simm.s32 $0xC080;
	v3 =	vadd.s32 v1, v3  }
0x181: {  	[tilespmem:s29], [sflag:$0x1] =	stream.indirect_vreg.gather [hbm4b:s1+s3], $0x80, v4, vm0, $0xb8;
	[tilespmem:$0x10080] =	vst v63  }
0x182: {  	s30 =	simm.s32 $0xC880  }
0x183: {  	[tilespmem:s30], [sflag:$0x1] =	stream.indirect_vreg.gather [hbm4b:s4+s3], $0x80, v4, vm0, $0xb8;
	[tilespmem:$0x10080] =	vst v63  }
0x184: {  	s23 =	simm.s32 $0xD080  }
0x185: {  	[tilespmem:s23], [sflag:$0x1] =	stream.indirect_vreg.gather [hbm4b:s1+s3], $0x80, v3, vm0, $0xb8;
	[tilespmem:$0x10080] =	vst v63  }
0x186: {  	s23 =	simm.s32 $0xD880  }
0x187: {  	[tilespmem:s23], [sflag:$0x1] =	stream.indirect_vreg.gather [hbm4b:s4+s3], $0x80, v3, vm0, $0xb8;
	[tilespmem:$0x10080] =	vst v63  }
0x188: {  	v3 =	vld [tilespmem:$0x70];
	_ =	sdelay $0x4  }
0x189: {  	v47 =	vshll.u32 v3, $0x2  }
0x18a: {  	v3 =	vand.u32 $0x7, v3;
	v4 =	vand.u32 $0xFFFFFFE0, v47  }
0x18b: {  	v3 =	vor.u32 v3, v4  }
0x18c: {  	v4 =	vperm.xlane v3, v0;
	_ =	sdelay $0x1  }
0x18d: {  	v4 =	vadd.s32 v1, v4;
	_ =	sdelay $0x1  }
0x18e: {  	v3 =	vperm.xlane v3, v2;
	_ =	sdelay $0x1  }
0x18f: {  	s22 =	simm.s32 $0xE080;
	v3 =	vadd.s32 v1, v3  }
0x190: {  	[tilespmem:s22], [sflag:$0x1] =	stream.indirect_vreg.gather [hbm4b:s1+s3], $0x80, v4, vm0, $0xb8;
	[tilespmem:$0x10080] =	vst v63  }
0x191: {  	s26 =	simm.s32 $0xE880  }
0x192: {  	[tilespmem:s26], [sflag:$0x1] =	stream.indirect_vreg.gather [hbm4b:s4+s3], $0x80, v4, vm0, $0xb8;
	[tilespmem:$0x10080] =	vst v63  }
0x193: {  	s28 =	simm.s32 $0xF080  }
0x194: {  	[tilespmem:s28], [sflag:$0x1] =	stream.indirect_vreg.gather [hbm4b:s1+s3], $0x80, v3, vm0, $0xb8;
	[tilespmem:$0x10080] =	vst v63  }
0x195: {  	s21 =	simm.s32 $0xF880  }
0x196: {  	[tilespmem:s21], [sflag:$0x1] =	stream.indirect_vreg.gather [hbm4b:s4+s3], $0x80, v3, vm0, $0xb8;
	[tilespmem:$0x10080] =	vst v63  }
0x197: {  	_ =	swait.ge [sflag:s14], $0x10000  }
0x198: {  	[sflag:s14] =	ssyncset.done $0x0  }
0x199: {  	s10 =	rddreg [dreg:$0x9];
	[sflag:s14] =	ssyncadd.s32 $0xFFFF0000  }
0x19a: {  	[hbm4b:s10+s3] =	stream.linear.scatter [tilespmem:s25], [sflag:$0x2], $0x10000, $0x38;
	[tilespmem:$0x10080] =	vst v63  }
0x19b: {  	_ =	swait.ge [sflag:s6], $0x10000  }
0x19c: {  	[sflag:s6] =	ssyncset.done $0x0  }
0x19d: {  	s21 =	rddreg [dreg:$0xa];
	[sflag:s6] =	ssyncadd.s32 $0xFFFF0000  }
0x19e: {  	[tilespmem:s3], [sflag:$0x2] =	stream.linear.gather [hbm4b:s21+s3], $0x80, $0x38;
	[tilespmem:$0x10080] =	vst v63  }
0x19f: {  	_ =	swait.ge [sflag:s6], $0x80  }
0x1a0: {  	[sflag:s6] =	ssyncset.done $0x0  }
0x1a1: {  	[sflag:s6] =	ssyncadd.s32 $0xFFFFFF80  }
0x1a2: {  	v3 =	vld [tilespmem:$0x0];
	_ =	sdelay $0x4  }
0x1a3: {  	v48 =	vshll.u32 v3, $0x2  }
0x1a4: {  	v3 =	vand.u32 $0x7, v3;
	v4 =	vand.u32 $0xFFFFFFE0, v48  }
0x1a5: {  	v3 =	vor.u32 v3, v4  }
0x1a6: {  	v4 =	vperm.xlane v3, v0;
	_ =	sdelay $0x1  }
0x1a7: {  	v4 =	vadd.s32 v1, v4;
	_ =	sdelay $0x1  }
0x1a8: {  	v3 =	vperm.xlane v3, v2;
	_ =	sdelay $0x1  }
0x1a9: {  	v3 =	vadd.s32 v1, v3  }
0x1aa: {  	[tilespmem:s25], [sflag:$0x1] =	stream.indirect_vreg.gather [hbm4b:s1+s3], $0x80, v4, vm0, $0xb8;
	[tilespmem:$0x10080] =	vst v63  }
0x1ab: {  	s28 =	simm.s32 $0x880  }
0x1ac: {  	[tilespmem:s28], [sflag:$0x1] =	stream.indirect_vreg.gather [hbm4b:s4+s3], $0x80, v4, vm0, $0xb8;
	[tilespmem:$0x10080] =	vst v63  }
0x1ad: {  	s15 =	simm.s32 $0x1080  }
0x1ae: {  	[tilespmem:s15], [sflag:$0x1] =	stream.indirect_vreg.gather [hbm4b:s1+s3], $0x80, v3, vm0, $0xb8;
	[tilespmem:$0x10080] =	vst v63  }
0x1af: {  	s16 =	simm.s32 $0x1880  }
0x1b0: {  	[tilespmem:s16], [sflag:$0x1] =	stream.indirect_vreg.gather [hbm4b:s4+s3], $0x80, v3, vm0, $0xb8;
	[tilespmem:$0x10080] =	vst v63  }
0x1b1: {  	v3 =	vld [tilespmem:$0x10];
	_ =	sdelay $0x4  }
0x1b2: {  	v49 =	vshll.u32 v3, $0x2  }
0x1b3: {  	v3 =	vand.u32 $0x7, v3;
	v4 =	vand.u32 $0xFFFFFFE0, v49  }
0x1b4: {  	v3 =	vor.u32 v3, v4  }
0x1b5: {  	v4 =	vperm.xlane v3, v0;
	_ =	sdelay $0x1  }
0x1b6: {  	v4 =	vadd.s32 v1, v4;
	_ =	sdelay $0x1  }
0x1b7: {  	v3 =	vperm.xlane v3, v2;
	_ =	sdelay $0x1  }
0x1b8: {  	s16 =	simm.s32 $0x2080;
	v3 =	vadd.s32 v1, v3  }
0x1b9: {  	[tilespmem:s16], [sflag:$0x1] =	stream.indirect_vreg.gather [hbm4b:s1+s3], $0x80, v4, vm0, $0xb8;
	[tilespmem:$0x10080] =	vst v63  }
0x1ba: {  	s21 =	simm.s32 $0x2880  }
0x1bb: {  	[tilespmem:s21], [sflag:$0x1] =	stream.indirect_vreg.gather [hbm4b:s4+s3], $0x80, v4, vm0, $0xb8;
	[tilespmem:$0x10080] =	vst v63  }
0x1bc: {  	s15 =	simm.s32 $0x3080  }
0x1bd: {  	[tilespmem:s15], [sflag:$0x1] =	stream.indirect_vreg.gather [hbm4b:s1+s3], $0x80, v3, vm0, $0xb8;
	[tilespmem:$0x10080] =	vst v63  }
0x1be: {  	s16 =	simm.s32 $0x3880  }
0x1bf: {  	[tilespmem:s16], [sflag:$0x1] =	stream.indirect_vreg.gather [hbm4b:s4+s3], $0x80, v3, vm0, $0xb8;
	[tilespmem:$0x10080] =	vst v63  }
0x1c0: {  	v3 =	vld [tilespmem:$0x20];
	_ =	sdelay $0x4  }
0x1c1: {  	v50 =	vshll.u32 v3, $0x2  }
0x1c2: {  	v3 =	vand.u32 $0x7, v3;
	v4 =	vand.u32 $0xFFFFFFE0, v50  }
0x1c3: {  	v3 =	vor.u32 v3, v4  }
0x1c4: {  	v4 =	vperm.xlane v3, v0;
	_ =	sdelay $0x1  }
0x1c5: {  	v4 =	vadd.s32 v1, v4;
	_ =	sdelay $0x1  }
0x1c6: {  	v3 =	vperm.xlane v3, v2;
	_ =	sdelay $0x1  }
0x1c7: {  	s21 =	simm.s32 $0x4080;
	v3 =	vadd.s32 v1, v3  }
0x1c8: {  	[tilespmem:s21], [sflag:$0x1] =	stream.indirect_vreg.gather [hbm4b:s1+s3], $0x80, v4, vm0, $0xb8;
	[tilespmem:$0x10080] =	vst v63  }
0x1c9: {  	s24 =	simm.s32 $0x4880  }
0x1ca: {  	[tilespmem:s24], [sflag:$0x1] =	stream.indirect_vreg.gather [hbm4b:s4+s3], $0x80, v4, vm0, $0xb8;
	[tilespmem:$0x10080] =	vst v63  }
0x1cb: {  	s12 =	simm.s32 $0x5080  }
0x1cc: {  	[tilespmem:s12], [sflag:$0x1] =	stream.indirect_vreg.gather [hbm4b:s1+s3], $0x80, v3, vm0, $0xb8;
	[tilespmem:$0x10080] =	vst v63  }
0x1cd: {  	s31 =	simm.s32 $0x5880  }
0x1ce: {  	[tilespmem:s31], [sflag:$0x1] =	stream.indirect_vreg.gather [hbm4b:s4+s3], $0x80, v3, vm0, $0xb8;
	[tilespmem:$0x10080] =	vst v63  }
0x1cf: {  	v3 =	vld [tilespmem:$0x30];
	_ =	sdelay $0x4  }
0x1d0: {  	v51 =	vshll.u32 v3, $0x2  }
0x1d1: {  	v3 =	vand.u32 $0x7, v3;
	v4 =	vand.u32 $0xFFFFFFE0, v51  }
0x1d2: {  	v3 =	vor.u32 v3, v4  }
0x1d3: {  	v4 =	vperm.xlane v3, v0;
	_ =	sdelay $0x1  }
0x1d4: {  	v4 =	vadd.s32 v1, v4;
	_ =	sdelay $0x1  }
0x1d5: {  	v3 =	vperm.xlane v3, v2;
	_ =	sdelay $0x1  }
0x1d6: {  	s17 =	simm.s32 $0x6080;
	v3 =	vadd.s32 v1, v3  }
0x1d7: {  	[tilespmem:s17], [sflag:$0x1] =	stream.indirect_vreg.gather [hbm4b:s1+s3], $0x80, v4, vm0, $0xb8;
	[tilespmem:$0x10080] =	vst v63  }
0x1d8: {  	s18 =	simm.s32 $0x6880  }
0x1d9: {  	[tilespmem:s18], [sflag:$0x1] =	stream.indirect_vreg.gather [hbm4b:s4+s3], $0x80, v4, vm0, $0xb8;
	[tilespmem:$0x10080] =	vst v63  }
0x1da: {  	s19 =	simm.s32 $0x7080  }
0x1db: {  	[tilespmem:s19], [sflag:$0x1] =	stream.indirect_vreg.gather [hbm4b:s1+s3], $0x80, v3, vm0, $0xb8;
	[tilespmem:$0x10080] =	vst v63  }
0x1dc: {  	s20 =	simm.s32 $0x7880  }
0x1dd: {  	[tilespmem:s20], [sflag:$0x1] =	stream.indirect_vreg.gather [hbm4b:s4+s3], $0x80, v3, vm0, $0xb8;
	[tilespmem:$0x10080] =	vst v63  }
0x1de: {  	v3 =	vld [tilespmem:$0x40];
	_ =	sdelay $0x4  }
0x1df: {  	v52 =	vshll.u32 v3, $0x2  }
0x1e0: {  	v3 =	vand.u32 $0x7, v3;
	v4 =	vand.u32 $0xFFFFFFE0, v52  }
0x1e1: {  	v3 =	vor.u32 v3, v4  }
0x1e2: {  	v4 =	vperm.xlane v3, v0;
	_ =	sdelay $0x1  }
0x1e3: {  	v4 =	vadd.s32 v1, v4;
	_ =	sdelay $0x1  }
0x1e4: {  	v3 =	vperm.xlane v3, v2;
	_ =	sdelay $0x1  }
0x1e5: {  	s13 =	simm.s32 $0x8080;
	v3 =	vadd.s32 v1, v3  }
0x1e6: {  	[tilespmem:s13], [sflag:$0x1] =	stream.indirect_vreg.gather [hbm4b:s1+s3], $0x80, v4, vm0, $0xb8;
	[tilespmem:$0x10080] =	vst v63  }
0x1e7: {  	s0 =	simm.s32 $0x8880  }
0x1e8: {  	[tilespmem:s0], [sflag:$0x1] =	stream.indirect_vreg.gather [hbm4b:s4+s3], $0x80, v4, vm0, $0xb8;
	[tilespmem:$0x10080] =	vst v63  }
0x1e9: {  	s2 =	simm.s32 $0x9080  }
0x1ea: {  	[tilespmem:s2], [sflag:$0x1] =	stream.indirect_vreg.gather [hbm4b:s1+s3], $0x80, v3, vm0, $0xb8;
	[tilespmem:$0x10080] =	vst v63  }
0x1eb: {  	s11 =	simm.s32 $0x9880  }
0x1ec: {  	[tilespmem:s11], [sflag:$0x1] =	stream.indirect_vreg.gather [hbm4b:s4+s3], $0x80, v3, vm0, $0xb8;
	[tilespmem:$0x10080] =	vst v63  }
0x1ed: {  	v3 =	vld [tilespmem:$0x50];
	_ =	sdelay $0x4  }
0x1ee: {  	v53 =	vshll.u32 v3, $0x2  }
0x1ef: {  	v3 =	vand.u32 $0x7, v3;
	v4 =	vand.u32 $0xFFFFFFE0, v53  }
0x1f0: {  	v3 =	vor.u32 v3, v4  }
0x1f1: {  	v4 =	vperm.xlane v3, v0;
	_ =	sdelay $0x1  }
0x1f2: {  	v4 =	vadd.s32 v1, v4;
	_ =	sdelay $0x1  }
0x1f3: {  	v3 =	vperm.xlane v3, v2;
	_ =	sdelay $0x1  }
0x1f4: {  	s7 =	simm.s32 $0xA080;
	v3 =	vadd.s32 v1, v3  }
0x1f5: {  	[tilespmem:s7], [sflag:$0x1] =	stream.indirect_vreg.gather [hbm4b:s1+s3], $0x80, v4, vm0, $0xb8;
	[tilespmem:$0x10080] =	vst v63  }
0x1f6: {  	s8 =	simm.s32 $0xA880  }
0x1f7: {  	[tilespmem:s8], [sflag:$0x1] =	stream.indirect_vreg.gather [hbm4b:s4+s3], $0x80, v4, vm0, $0xb8;
	[tilespmem:$0x10080] =	vst v63  }
0x1f8: {  	s9 =	simm.s32 $0xB080  }
0x1f9: {  	[tilespmem:s9], [sflag:$0x1] =	stream.indirect_vreg.gather [hbm4b:s1+s3], $0x80, v3, vm0, $0xb8;
	[tilespmem:$0x10080] =	vst v63  }
0x1fa: {  	s11 =	simm.s32 $0xB880  }
0x1fb: {  	[tilespmem:s11], [sflag:$0x1] =	stream.indirect_vreg.gather [hbm4b:s4+s3], $0x80, v3, vm0, $0xb8;
	[tilespmem:$0x10080] =	vst v63  }
0x1fc: {  	v3 =	vld [tilespmem:$0x60];
	_ =	sdelay $0x4  }
0x1fd: {  	v54 =	vshll.u32 v3, $0x2  }
0x1fe: {  	v3 =	vand.u32 $0x7, v3;
	v4 =	vand.u32 $0xFFFFFFE0, v54  }
0x1ff: {  	v3 =	vor.u32 v3, v4  }
0x200: {  	v4 =	vperm.xlane v3, v0;
	_ =	sdelay $0x1  }
0x201: {  	v4 =	vadd.s32 v1, v4;
	_ =	sdelay $0x1  }
0x202: {  	v3 =	vperm.xlane v3, v2;
	_ =	sdelay $0x1  }
0x203: {  	s29 =	simm.s32 $0xC080;
	v3 =	vadd.s32 v1, v3  }
0x204: {  	[tilespmem:s29], [sflag:$0x1] =	stream.indirect_vreg.gather [hbm4b:s1+s3], $0x80, v4, vm0, $0xb8;
	[tilespmem:$0x10080] =	vst v63  }
0x205: {  	s30 =	simm.s32 $0xC880  }
0x206: {  	[tilespmem:s30], [sflag:$0x1] =	stream.indirect_vreg.gather [hbm4b:s4+s3], $0x80, v4, vm0, $0xb8;
	[tilespmem:$0x10080] =	vst v63  }
0x207: {  	s15 =	simm.s32 $0xD080  }
0x208: {  	[tilespmem:s15], [sflag:$0x1] =	stream.indirect_vreg.gather [hbm4b:s1+s3], $0x80, v3, vm0, $0xb8;
	[tilespmem:$0x10080] =	vst v63  }
0x209: {  	s20 =	simm.s32 $0xD880  }
0x20a: {  	[tilespmem:s20], [sflag:$0x1] =	stream.indirect_vreg.gather [hbm4b:s4+s3], $0x80, v3, vm0, $0xb8;
	[tilespmem:$0x10080] =	vst v63  }
0x20b: {  	v3 =	vld [tilespmem:$0x70];
	_ =	sdelay $0x4  }
0x20c: {  	v55 =	vshll.u32 v3, $0x2  }
0x20d: {  	v3 =	vand.u32 $0x7, v3;
	v4 =	vand.u32 $0xFFFFFFE0, v55  }
0x20e: {  	v3 =	vor.u32 v3, v4  }
0x20f: {  	v4 =	vperm.xlane v3, v0;
	_ =	sdelay $0x1  }
0x210: {  	v4 =	vadd.s32 v1, v4;
	_ =	sdelay $0x1  }
0x211: {  	v3 =	vperm.xlane v3, v2;
	_ =	sdelay $0x1  }
0x212: {  	s22 =	simm.s32 $0xE080;
	v3 =	vadd.s32 v1, v3  }
0x213: {  	[tilespmem:s22], [sflag:$0x1] =	stream.indirect_vreg.gather [hbm4b:s1+s3], $0x80, v4, vm0, $0xb8;
	[tilespmem:$0x10080] =	vst v63  }
0x214: {  	s23 =	simm.s32 $0xE880  }
0x215: {  	[tilespmem:s23], [sflag:$0x1] =	stream.indirect_vreg.gather [hbm4b:s4+s3], $0x80, v4, vm0, $0xb8;
	[tilespmem:$0x10080] =	vst v63  }
0x216: {  	s26 =	simm.s32 $0xF080  }
0x217: {  	[tilespmem:s26], [sflag:$0x1] =	stream.indirect_vreg.gather [hbm4b:s1+s3], $0x80, v3, vm0, $0xb8;
	[tilespmem:$0x10080] =	vst v63  }
0x218: {  	s22 =	simm.s32 $0xF880  }
0x219: {  	[tilespmem:s22], [sflag:$0x1] =	stream.indirect_vreg.gather [hbm4b:s4+s3], $0x80, v3, vm0, $0xb8;
	[tilespmem:$0x10080] =	vst v63  }
0x21a: {  	_ =	swait.ge [sflag:s14], $0x10000  }
0x21b: {  	[sflag:s14] =	ssyncset.done $0x0  }
0x21c: {  	s23 =	rddreg [dreg:$0xb];
	[sflag:s14] =	ssyncadd.s32 $0xFFFF0000  }
0x21d: {  	[hbm4b:s23+s3] =	stream.linear.scatter [tilespmem:s25], [sflag:$0x2], $0x10000, $0x38;
	[tilespmem:$0x10080] =	vst v63  }
0x21e: {  	_ =	swait.ge [sflag:s6], $0x10000  }
0x21f: {  	[sflag:s6] =	ssyncset.done $0x0  }
0x220: {  	s26 =	rddreg [dreg:$0xc];
	[sflag:s6] =	ssyncadd.s32 $0xFFFF0000  }
0x221: {  	[tilespmem:s3], [sflag:$0x2] =	stream.linear.gather [hbm4b:s26+s3], $0x80, $0x38;
	[tilespmem:$0x10080] =	vst v63  }
0x222: {  	_ =	swait.ge [sflag:s6], $0x80  }
0x223: {  	[sflag:s6] =	ssyncset.done $0x0  }
0x224: {  	[sflag:s6] =	ssyncadd.s32 $0xFFFFFF80  }
0x225: {  	v3 =	vld [tilespmem:$0x0];
	_ =	sdelay $0x4  }
0x226: {  	v56 =	vshll.u32 v3, $0x2  }
0x227: {  	v3 =	vand.u32 $0x7, v3;
	v4 =	vand.u32 $0xFFFFFFE0, v56  }
0x228: {  	v3 =	vor.u32 v3, v4  }
0x229: {  	v4 =	vperm.xlane v3, v0;
	_ =	sdelay $0x1  }
0x22a: {  	v4 =	vadd.s32 v1, v4;
	_ =	sdelay $0x1  }
0x22b: {  	v3 =	vperm.xlane v3, v2;
	_ =	sdelay $0x1  }
0x22c: {  	v3 =	vadd.s32 v1, v3  }
0x22d: {  	[tilespmem:s25], [sflag:$0x1] =	stream.indirect_vreg.gather [hbm4b:s1+s3], $0x80, v4, vm0, $0xb8;
	[tilespmem:$0x10080] =	vst v63  }
0x22e: {  	s23 =	simm.s32 $0x880  }
0x22f: {  	[tilespmem:s23], [sflag:$0x1] =	stream.indirect_vreg.gather [hbm4b:s4+s3], $0x80, v4, vm0, $0xb8;
	[tilespmem:$0x10080] =	vst v63  }
0x230: {  	s26 =	simm.s32 $0x1080  }
0x231: {  	[tilespmem:s26], [sflag:$0x1] =	stream.indirect_vreg.gather [hbm4b:s1+s3], $0x80, v3, vm0, $0xb8;
	[tilespmem:$0x10080] =	vst v63  }
0x232: {  	s28 =	simm.s32 $0x1880  }
0x233: {  	[tilespmem:s28], [sflag:$0x1] =	stream.indirect_vreg.gather [hbm4b:s4+s3], $0x80, v3, vm0, $0xb8;
	[tilespmem:$0x10080] =	vst v63  }
0x234: {  	v3 =	vld [tilespmem:$0x10];
	_ =	sdelay $0x4  }
0x235: {  	v57 =	vshll.u32 v3, $0x2  }
0x236: {  	v3 =	vand.u32 $0x7, v3;
	v4 =	vand.u32 $0xFFFFFFE0, v57  }
0x237: {  	v3 =	vor.u32 v3, v4  }
0x238: {  	v4 =	vperm.xlane v3, v0;
	_ =	sdelay $0x1  }
0x239: {  	v4 =	vadd.s32 v1, v4;
	_ =	sdelay $0x1  }
0x23a: {  	v3 =	vperm.xlane v3, v2;
	_ =	sdelay $0x1  }
0x23b: {  	s23 =	simm.s32 $0x2080;
	v3 =	vadd.s32 v1, v3  }
0x23c: {  	[tilespmem:s23], [sflag:$0x1] =	stream.indirect_vreg.gather [hbm4b:s1+s3], $0x80, v4, vm0, $0xb8;
	[tilespmem:$0x10080] =	vst v63  }
0x23d: {  	s26 =	simm.s32 $0x2880  }
0x23e: {  	[tilespmem:s26], [sflag:$0x1] =	stream.indirect_vreg.gather [hbm4b:s4+s3], $0x80, v4, vm0, $0xb8;
	[tilespmem:$0x10080] =	vst v63  }
0x23f: {  	s28 =	simm.s32 $0x3080  }
0x240: {  	[tilespmem:s28], [sflag:$0x1] =	stream.indirect_vreg.gather [hbm4b:s1+s3], $0x80, v3, vm0, $0xb8;
	[tilespmem:$0x10080] =	vst v63  }
0x241: {  	s23 =	simm.s32 $0x3880  }
0x242: {  	[tilespmem:s23], [sflag:$0x1] =	stream.indirect_vreg.gather [hbm4b:s4+s3], $0x80, v3, vm0, $0xb8;
	[tilespmem:$0x10080] =	vst v63  }
0x243: {  	v3 =	vld [tilespmem:$0x20];
	_ =	sdelay $0x4  }
0x244: {  	v58 =	vshll.u32 v3, $0x2  }
0x245: {  	v3 =	vand.u32 $0x7, v3;
	v4 =	vand.u32 $0xFFFFFFE0, v58  }
0x246: {  	v3 =	vor.u32 v3, v4  }
0x247: {  	v4 =	vperm.xlane v3, v0;
	_ =	sdelay $0x1  }
0x248: {  	v4 =	vadd.s32 v1, v4;
	_ =	sdelay $0x1  }
0x249: {  	v3 =	vperm.xlane v3, v2;
	_ =	sdelay $0x1  }
0x24a: {  	s26 =	simm.s32 $0x4080;
	v3 =	vadd.s32 v1, v3  }
0x24b: {  	[tilespmem:s26], [sflag:$0x1] =	stream.indirect_vreg.gather [hbm4b:s1+s3], $0x80, v4, vm0, $0xb8;
	[tilespmem:$0x10080] =	vst v63  }
0x24c: {  	s16 =	simm.s32 $0x4880  }
0x24d: {  	[tilespmem:s16], [sflag:$0x1] =	stream.indirect_vreg.gather [hbm4b:s4+s3], $0x80, v4, vm0, $0xb8;
	[tilespmem:$0x10080] =	vst v63  }
0x24e: {  	s24 =	simm.s32 $0x5080  }
0x24f: {  	[tilespmem:s24], [sflag:$0x1] =	stream.indirect_vreg.gather [hbm4b:s1+s3], $0x80, v3, vm0, $0xb8;
	[tilespmem:$0x10080] =	vst v63  }
0x250: {  	s10 =	simm.s32 $0x5880  }
0x251: {  	[tilespmem:s10], [sflag:$0x1] =	stream.indirect_vreg.gather [hbm4b:s4+s3], $0x80, v3, vm0, $0xb8;
	[tilespmem:$0x10080] =	vst v63  }
0x252: {  	v3 =	vld [tilespmem:$0x30];
	_ =	sdelay $0x4  }
0x253: {  	v59 =	vshll.u32 v3, $0x2  }
0x254: {  	v3 =	vand.u32 $0x7, v3;
	v4 =	vand.u32 $0xFFFFFFE0, v59  }
0x255: {  	v3 =	vor.u32 v3, v4  }
0x256: {  	v4 =	vperm.xlane v3, v0;
	_ =	sdelay $0x1  }
0x257: {  	v4 =	vadd.s32 v1, v4;
	_ =	sdelay $0x1  }
0x258: {  	v3 =	vperm.xlane v3, v2;
	_ =	sdelay $0x1  }
0x259: {  	s31 =	simm.s32 $0x6080;
	v3 =	vadd.s32 v1, v3  }
0x25a: {  	[tilespmem:s31], [sflag:$0x1] =	stream.indirect_vreg.gather [hbm4b:s1+s3], $0x80, v4, vm0, $0xb8;
	[tilespmem:$0x10080] =	vst v63  }
0x25b: {  	s17 =	simm.s32 $0x6880  }
0x25c: {  	[tilespmem:s17], [sflag:$0x1] =	stream.indirect_vreg.gather [hbm4b:s4+s3], $0x80, v4, vm0, $0xb8;
	[tilespmem:$0x10080] =	vst v63  }
0x25d: {  	s18 =	simm.s32 $0x7080  }
0x25e: {  	[tilespmem:s18], [sflag:$0x1] =	stream.indirect_vreg.gather [hbm4b:s1+s3], $0x80, v3, vm0, $0xb8;
	[tilespmem:$0x10080] =	vst v63  }
0x25f: {  	s19 =	simm.s32 $0x7880  }
0x260: {  	[tilespmem:s19], [sflag:$0x1] =	stream.indirect_vreg.gather [hbm4b:s4+s3], $0x80, v3, vm0, $0xb8;
	[tilespmem:$0x10080] =	vst v63  }
0x261: {  	v3 =	vld [tilespmem:$0x40];
	_ =	sdelay $0x4  }
0x262: {  	v60 =	vshll.u32 v3, $0x2  }
0x263: {  	v3 =	vand.u32 $0x7, v3;
	v4 =	vand.u32 $0xFFFFFFE0, v60  }
0x264: {  	v3 =	vor.u32 v3, v4  }
0x265: {  	v4 =	vperm.xlane v3, v0;
	_ =	sdelay $0x1  }
0x266: {  	v4 =	vadd.s32 v1, v4;
	_ =	sdelay $0x1  }
0x267: {  	v3 =	vperm.xlane v3, v2;
	_ =	sdelay $0x1  }
0x268: {  	s12 =	simm.s32 $0x8080;
	v3 =	vadd.s32 v1, v3  }
0x269: {  	[tilespmem:s12], [sflag:$0x1] =	stream.indirect_vreg.gather [hbm4b:s1+s3], $0x80, v4, vm0, $0xb8;
	[tilespmem:$0x10080] =	vst v63  }
0x26a: {  	s21 =	simm.s32 $0x8880  }
0x26b: {  	[tilespmem:s21], [sflag:$0x1] =	stream.indirect_vreg.gather [hbm4b:s4+s3], $0x80, v4, vm0, $0xb8;
	[tilespmem:$0x10080] =	vst v63  }
0x26c: {  	s0 =	simm.s32 $0x9080  }
0x26d: {  	[tilespmem:s0], [sflag:$0x1] =	stream.indirect_vreg.gather [hbm4b:s1+s3], $0x80, v3, vm0, $0xb8;
	[tilespmem:$0x10080] =	vst v63  }
0x26e: {  	s13 =	simm.s32 $0x9880  }
0x26f: {  	[tilespmem:s13], [sflag:$0x1] =	stream.indirect_vreg.gather [hbm4b:s4+s3], $0x80, v3, vm0, $0xb8;
	[tilespmem:$0x10080] =	vst v63  }
0x270: {  	v3 =	vld [tilespmem:$0x50];
	_ =	sdelay $0x4  }
0x271: {  	v61 =	vshll.u32 v3, $0x2  }
0x272: {  	v3 =	vand.u32 $0x7, v3;
	v4 =	vand.u32 $0xFFFFFFE0, v61  }
0x273: {  	v3 =	vor.u32 v3, v4  }
0x274: {  	v4 =	vperm.xlane v3, v0;
	_ =	sdelay $0x1  }
0x275: {  	v4 =	vadd.s32 v1, v4;
	_ =	sdelay $0x1  }
0x276: {  	v3 =	vperm.xlane v3, v2;
	_ =	sdelay $0x1  }
0x277: {  	s2 =	simm.s32 $0xA080;
	v3 =	vadd.s32 v1, v3  }
0x278: {  	[tilespmem:s2], [sflag:$0x1] =	stream.indirect_vreg.gather [hbm4b:s1+s3], $0x80, v4, vm0, $0xb8;
	[tilespmem:$0x10080] =	vst v63  }
0x279: {  	s7 =	simm.s32 $0xA880  }
0x27a: {  	[tilespmem:s7], [sflag:$0x1] =	stream.indirect_vreg.gather [hbm4b:s4+s3], $0x80, v4, vm0, $0xb8;
	[tilespmem:$0x10080] =	vst v63  }
0x27b: {  	s8 =	simm.s32 $0xB080  }
0x27c: {  	[tilespmem:s8], [sflag:$0x1] =	stream.indirect_vreg.gather [hbm4b:s1+s3], $0x80, v3, vm0, $0xb8;
	[tilespmem:$0x10080] =	vst v63  }
0x27d: {  	s28 =	simm.s32 $0xB880  }
0x27e: {  	[tilespmem:s28], [sflag:$0x1] =	stream.indirect_vreg.gather [hbm4b:s4+s3], $0x80, v3, vm0, $0xb8;
	[tilespmem:$0x10080] =	vst v63  }
0x27f: {  	v3 =	vld [tilespmem:$0x60];
	_ =	sdelay $0x4  }
0x280: {  	v62 =	vshll.u32 v3, $0x2  }
0x281: {  	v3 =	vand.u32 $0x7, v3;
	v4 =	vand.u32 $0xFFFFFFE0, v62  }
0x282: {  	v3 =	vor.u32 v3, v4  }
0x283: {  	v4 =	vperm.xlane v3, v0;
	_ =	sdelay $0x1  }
0x284: {  	v4 =	vadd.s32 v1, v4;
	_ =	sdelay $0x1  }
0x285: {  	v3 =	vperm.xlane v3, v2;
	_ =	sdelay $0x1  }
0x286: {  	s29 =	simm.s32 $0xC080;
	v3 =	vadd.s32 v1, v3  }
0x287: {  	[tilespmem:s29], [sflag:$0x1] =	stream.indirect_vreg.gather [hbm4b:s1+s3], $0x80, v4, vm0, $0xb8;
	[tilespmem:$0x10080] =	vst v63  }
0x288: {  	s30 =	simm.s32 $0xC880  }
0x289: {  	[tilespmem:s30], [sflag:$0x1] =	stream.indirect_vreg.gather [hbm4b:s4+s3], $0x80, v4, vm0, $0xb8;
	[tilespmem:$0x10080] =	vst v63  }
0x28a: {  	s29 =	simm.s32 $0xD080  }
0x28b: {  	[tilespmem:s29], [sflag:$0x1] =	stream.indirect_vreg.gather [hbm4b:s1+s3], $0x80, v3, vm0, $0xb8;
	[tilespmem:$0x10080] =	vst v63  }
0x28c: {  	s30 =	simm.s32 $0xD880  }
0x28d: {  	[tilespmem:s30], [sflag:$0x1] =	stream.indirect_vreg.gather [hbm4b:s4+s3], $0x80, v3, vm0, $0xb8;
	[tilespmem:$0x10080] =	vst v63  }
0x28e: {  	v3 =	vld [tilespmem:$0x70];
	_ =	sdelay $0x4  }
0x28f: {  	v63 =	vshll.u32 v3, $0x2  }
0x290: {  	v3 =	vand.u32 $0x7, v3;
	v4 =	vand.u32 $0xFFFFFFE0, v63  }
0x291: {  	v3 =	vor.u32 v3, v4  }
0x292: {  	v4 =	vperm.xlane v3, v0;
	_ =	sdelay $0x1  }
0x293: {  	v4 =	vadd.s32 v1, v4;
	_ =	sdelay $0x1  }
0x294: {  	v3 =	vperm.xlane v3, v2;
	_ =	sdelay $0x1  }
0x295: {  	s9 =	simm.s32 $0xE080;
	v3 =	vadd.s32 v1, v3  }
0x296: {  	[tilespmem:s9], [sflag:$0x1] =	stream.indirect_vreg.gather [hbm4b:s1+s3], $0x80, v4, vm0, $0xb8;
	[tilespmem:$0x10080] =	vst v63  }
0x297: {  	s11 =	simm.s32 $0xE880  }
0x298: {  	[tilespmem:s11], [sflag:$0x1] =	stream.indirect_vreg.gather [hbm4b:s4+s3], $0x80, v4, vm0, $0xb8;
	[tilespmem:$0x10080] =	vst v63  }
0x299: {  	s20 =	simm.s32 $0xF080  }
0x29a: {  	[tilespmem:s20], [sflag:$0x1] =	stream.indirect_vreg.gather [hbm4b:s1+s3], $0x80, v3, vm0, $0xb8;
	[tilespmem:$0x10080] =	vst v63  }
0x29b: {  	s22 =	simm.s32 $0xF880  }
0x29c: {  	[tilespmem:s22], [sflag:$0x1] =	stream.indirect_vreg.gather [hbm4b:s4+s3], $0x80, v3, vm0, $0xb8;
	[tilespmem:$0x10080] =	vst v63  }
0x29d: {  	_ =	swait.ge [sflag:s14], $0x10000  }
0x29e: {  	p0 =	sne.s32 s5, $0x1;
	[sflag:s14] =	ssyncset.done $0x0  }
.Ltmp0:
0x29f: {  	s31 =	rddreg [dreg:$0xd];
	[sflag:s14] =	ssyncadd.s32 $0xFFFF0000;
	(pc) =	sbr.rel @p0 .LBB2_1-.Ltmp0, $4  }
0x2a0: {  	[hbm4b:s31+s3] =	stream.linear.scatter [tilespmem:s25], [sflag:$0x2], $0x10000, $0x38;
	[tilespmem:$0x10080] =	vst v63  }
0x2a1: {  	_ =	swait.ge [sflag:s6], $0x10000  }
0x2a2: {  	[sflag:s6] =	ssyncset.done $0x0  }
0x2a3: {  	s5 =	sadd.s32 $0xFFFFFFFF, s5;
	[sflag:s6] =	ssyncadd.s32 $0xFFFF0000  }
0x2a4: {  	_ =	sfence.sel $0x180000  }
0x2a5: {  	[bflag:$0x0] =	sbarrier.arrive $0xFFFF  }
0x2a6: {  	_ =	strace $0x90000047  }
0x2a7: {  	s0 =	stileid.u32;
	[bflag:$0x2] =	sbarrier.arrive $0xFFFF  }
0x2a8: {  	p0 =	sne.s32 s0, $0x0;
	s0 =	rddreg [dreg:$0x3]  }
0x2a9: {  	s0 =	sadd.s32 @!p0 $0x100000, s0  }
0x2aa: {  	[sflag:s0] =	ssyncadd.tile.s32 @!p0 $0x1;
	_ =	shalt  }
.Lfunc_end2:
_tile_overlayer_lowered:
.L_overlay_start_2:
0x2ab: {  	(tag) =	ssettag $0x2  }
0x2ac: {  	s0 =	rddreg [dreg:$0x0];
	s2 =	stileid.u32  }
0x2ad: {  	s1 =	rddreg [dreg:$0x1];
	p0 =	sne.s32 s2, $0x0  }
0x2ae: {  	s3 =	rddreg [dreg:$0x2];
	[bflag:$0x3] =	sbarrier.arrive $0xFFFF;
	s2 =	simm.s32 @!p0 $0x1C02  }
0x2af: {  	[timem:s3], [sflag:s2] =	dma.local @!p0 [hbm:s0], s1  }
0x2b0: {  	s0 =	simm.s32 @!p0 $0x2  }
0x2b1: {  	_ =	swait.ge @!p0 [sflag:s0], s1  }
0x2b2: {  	s1 =	ssub.s32 @!p0 $0x0, s1;
	[sflag:s0] =	ssyncset.done @!p0 $0x0  }
0x2b3: {  	[sflag:s0] =	ssyncadd.s32 @!p0 s1  }
0x2b4: {  	[bflag:$0x3] =	sbarrier.arrive $0xFFFF  }
0x2b5: {  	_ =	shalt  }

</sc_bundles>
